<compile_context>
chip_gen: v7x
topology: tpu7x:2x2x1
jax: 0.10.2.dev20260603
libtpu: 0.0.44.dev20260713+nightly
codegen_flags: <defaults>
</compile_context>

<pallas_src>
import functools

import jax
import jax.numpy as jnp
import numpy as np
from jax import lax
from jax.experimental import pallas as pl
from jax.experimental.pallas import tpu as pltpu
from jax.experimental.pallas import tpu_sc as plsc


def _monotone_i32(v):
    b = lax.bitcast_convert_type(v, jnp.int32)
    return b ^ ((b >> 31) & 0x7FFFFFFF)


def _gumbel_L_traced(B, N, H):
    k_g, _ = jax.random.split(jax.random.key(42))
    u = jax.random.uniform(k_g, (B, N, H), jnp.float32)
    return jnp.log(-jnp.log(u + 1e-20) + 1e-20)


@functools.lru_cache(maxsize=None)
def _gumbel_L_const(B, N, H):
    try:
        return np.asarray(
            jax.jit(_gumbel_L_traced, static_argnums=(0, 1, 2))(B, N, H))
    except Exception:
        return None


def _scores_body(S, x_ref, w_ref, b_ref, m_ref, esx_ref, L_ref, out_ref):
    xb = x_ref[0]
    s = jnp.dot(xb, w_ref[...], preferred_element_type=jnp.float32)
    s = s + b_ref[...]
    s = s + m_ref[0]
    out_ref[0, :S, :] = s - L_ref[0, :S, :]
    out_ref[0, S:, :] = esx_ref[0] - L_ref[0, S:, :]


def _cumsum_mm(x):
    R, N = x.shape
    BL = 128
    nb = N // BL
    xb = x.reshape(R * nb, BL)
    it0 = lax.broadcasted_iota(jnp.int32, (BL, BL), 0)
    it1 = lax.broadcasted_iota(jnp.int32, (BL, BL), 1)
    tri_incl = (it0 <= it1).astype(jnp.float32)
    within = jnp.dot(xb, tri_incl, preferred_element_type=jnp.float32)
    within = within.reshape(R, nb, BL)
    bsum = within[:, :, BL - 1]
    jt0 = lax.broadcasted_iota(jnp.int32, (nb, nb), 0)
    jt1 = lax.broadcasted_iota(jnp.int32, (nb, nb), 1)
    tri_excl = (jt0 < jt1).astype(jnp.float32)
    boff = jnp.dot(bsum, tri_excl, preferred_element_type=jnp.float32)
    return (within + boff[:, :, None]).reshape(R, N)


def _plan_body(n, S, qrows, p_ref, pk_ref):
    k = _monotone_i32(p_ref[...])
    R, N = k.shape
    imin = jnp.full((R, 1), -2147483647 - 1, jnp.int32)
    imax = jnp.full((R, 1), 2147483647, jnp.int32)

    def step(_, c):
        lo1, hi1, lo2, hi2 = c

        def upd(lo, hi, K):
            mid = (lo >> 1) + (hi >> 1) + (lo & hi & 1)
            cnt = jnp.sum((k >= mid).astype(jnp.int32), axis=1, keepdims=True)
            ok = cnt >= K
            return jnp.where(ok, mid, lo), jnp.where(ok, hi, mid)

        lo1, hi1 = upd(lo1, hi1, n)
        lo2, hi2 = upd(lo2, hi2, 2 * n)
        return lo1, hi1, lo2, hi2

    lo1, _, lo2, _ = lax.fori_loop(0, 32, step, (imin, imax, imin, imax))
    gt1 = k > lo1
    gt2 = k > lo2
    e1 = k == lo1
    e2 = k == lo2
    cgt1 = jnp.sum(gt1.astype(jnp.int32), axis=1, keepdims=True)
    cgt2 = jnp.sum(gt2.astype(jnp.int32), axis=1, keepdims=True)
    need1 = n - cgt1
    need2 = 2 * n - cgt2
    ce = _cumsum_mm(
        jnp.concatenate([e1, e2], axis=0).astype(jnp.float32)
    ).astype(jnp.int32)
    p1 = ce[:R] - e1.astype(jnp.int32)
    p2 = ce[R:] - e2.astype(jnp.int32)
    sel1 = gt1 | (e1 & (p1 < need1))
    sel2 = gt2 | (e2 & (p2 < need2))
    selb = sel2 & jnp.logical_not(sel1)
    cs = _cumsum_mm(
        jnp.concatenate([sel1, selb], axis=0).astype(jnp.float32)
    ).astype(jnp.int32)
    d = jnp.where(sel1, cs[:R] - 1,
                  jnp.where(selb, n + cs[R:] - 1, 2 * n))
    rcol = lax.broadcasted_iota(jnp.int32, (R, N), 0)
    t = lax.broadcasted_iota(jnp.int32, (R, N), 1)
    h = rcol % 16
    g = jnp.where(t < S, rcol * S + t, qrows + h * (2 * n) + (t - S))
    pk_ref[...] = d * 262144 + g


def _make_select_gather(R, N, S, n, dh, qrows):
    n2 = 2 * n
    nchunk = N // 16
    half = n2 // 2
    gch = half // 128
    mesh = plsc.VectorSubcoreMesh(core_axis_name="c", subcore_axis_name="s")

    @functools.partial(
        pl.kernel,
        out_type=(
            jax.ShapeDtypeStruct((R, n2), jnp.float32),
            jax.ShapeDtypeStruct((R, n2), jnp.int32),
            jax.ShapeDtypeStruct((R, n2, 2 * dh), jnp.float32),
        ),
        mesh=mesh,
        compiler_params=pltpu.CompilerParams(needs_layout_passes=False),
        scratch_types=[
            pltpu.VMEM((N,), jnp.float32),
            pltpu.VMEM((N,), jnp.int32),
            pltpu.VMEM((n2 + 16,), jnp.int32),
            pltpu.VMEM((n2 + 16,), jnp.int32),
            pltpu.VMEM((n2 + 16,), jnp.float32),
            pltpu.VMEM((half, 2 * dh), jnp.float32),
            pltpu.SemaphoreType.DMA,
        ],
    )
    def body(pert_hbm, pk_hbm, qtab2_hbm, vals_hbm, idx_hbm, qsel_hbm,
             val_v, pk_v, ibuf, i2buf, vbuf, rows_v, sem):
        wid = lax.axis_index("s") * 2 + lax.axis_index("c")
        for j in range(R // 32):
            r = wid * (R // 32) + j
            pltpu.sync_copy(pert_hbm.at[r], val_v)
            pltpu.sync_copy(pk_hbm.at[r], pk_v)

            def chunk(i, carry):
                v = val_v[pl.ds(i * 16, 16)]
                p = pk_v[pl.ds(i * 16, 16)]
                d = p >> 18
                g = p & 0x3FFFF
                plsc.store_scatter(ibuf, [d], g)
                plsc.store_scatter(vbuf, [d], v)
                return carry

            lax.fori_loop(0, nchunk, chunk, jnp.int32(0))

            def halve(i, carry):
                i2buf[pl.ds(i * 16, 16)] = ibuf[pl.ds(i * 16, 16)] >> 1
                return carry

            lax.fori_loop(0, n2 // 16, halve, jnp.int32(0))

            pltpu.sync_copy(vbuf.at[pl.ds(0, n2)], vals_hbm.at[r])
            pltpu.sync_copy(ibuf.at[pl.ds(0, n2)], idx_hbm.at[r])

            for hh in range(n2 // half):
                copies = [
                    pltpu.async_copy(
                        qtab2_hbm.at[i2buf.at[pl.ds(hh * half + c * 128, 128)]],
                        rows_v.at[pl.ds(c * 128, 128)], sem)
                    for c in range(gch)
                ]
                for cp in copies:
                    cp.wait()
                pltpu.sync_copy(rows_v, qsel_hbm.at[r, pl.ds(hh * half, half)])

    return body


def _blend_body(n, dh, vrow_ref, vcol_ref, pcol_ref, q_ref, t_ref, o_ref):
    vt_r = vrow_ref[0, 0:1, 0:n]
    vb_r = vrow_ref[0, 0:1, n:2 * n]
    vt_c = vcol_ref[0]
    par = pcol_ref[0] & 1
    T = t_ref[0, 0:1, 0:1]
    qpair = q_ref[0]
    qsel = jnp.where(par == 1, qpair[:, dh:2 * dh], qpair[:, 0:dh])
    i0 = lax.broadcasted_iota(jnp.int32, (n, n), 0)
    i1 = lax.broadcasted_iota(jnp.int32, (n, n), 1)
    better = (vt_c > vt_r) | ((vt_c == vt_r) & (i0 < i1))
    rank_r = jnp.sum(better.astype(jnp.int32), axis=0, keepdims=True)
    E_T = (i0 == rank_r).astype(jnp.float32)
    P = 1.0 / (1.0 + jnp.exp(-((vt_c - vb_r) / T)))
    pm = jnp.mean(P, axis=1, keepdims=True)
    A = (1.0 - P) * (1.0 / n)
    qt = qsel[0:n, :]
    qb = qsel[n:2 * n, :]
    out_u = pm * qt + jnp.dot(A, qb, preferred_element_type=jnp.float32)
    E_b = E_T.astype(jnp.bfloat16)
    hi = out_u.astype(jnp.bfloat16)
    lo = (out_u - hi.astype(jnp.float32)).astype(jnp.bfloat16)
    o_ref[0, 0] = (jnp.dot(E_b, hi, preferred_element_type=jnp.float32)
                   + jnp.dot(E_b, lo, preferred_element_type=jnp.float32))


def kernel(x, q, mask, W_imp, b_imp, extra_token_score_x, extra_token_q,
           temperature):
    B, S, dx = x.shape
    H = W_imp.shape[1]
    n2 = extra_token_score_x.shape[1]
    n = n2 // 2
    dh = q.shape[-1]
    N = S + n2
    R = B * H
    qrows = B * H * S

    Lc = _gumbel_L_const(B, N, H)
    L = jnp.asarray(Lc) if Lc is not None else _gumbel_L_traced(B, N, H)

    pert_bth = pl.pallas_call(
        functools.partial(_scores_body, S),
        grid=(B,),
        in_specs=[
            pl.BlockSpec((1, S, dx), lambda b: (b, 0, 0)),
            pl.BlockSpec((dx, H), lambda b: (0, 0)),
            pl.BlockSpec((1, H), lambda b: (0, 0)),
            pl.BlockSpec((1, S, 1), lambda b: (b, 0, 0)),
            pl.BlockSpec((1, n2, H), lambda b: (0, 0, 0)),
            pl.BlockSpec((1, N, H), lambda b: (b, 0, 0)),
        ],
        out_specs=pl.BlockSpec((1, N, H), lambda b: (b, 0, 0)),
        out_shape=jax.ShapeDtypeStruct((B, N, H), jnp.float32),
    )(x, W_imp, b_imp.reshape(1, H), mask.reshape(B, S, 1),
      extra_token_score_x, L)

    pert = pert_bth.transpose(0, 2, 1).reshape(R, N)

    pk = pl.pallas_call(
        functools.partial(_plan_body, n, S, qrows),
        out_shape=jax.ShapeDtypeStruct((R, N), jnp.int32),
    )(pert)

    qtab2 = jnp.concatenate(
        [q.reshape(qrows // 2, 2 * dh),
         extra_token_q.reshape(H * n2 // 2, 2 * dh)], axis=0)

    vals, idx, qsel = _make_select_gather(R, N, S, n, dh, qrows)(
        pert, pk, qtab2)

    tb = jnp.broadcast_to(temperature.reshape(1, H, 1),
                          (B, H, 128)).reshape(R, 1, 128)

    out = pl.pallas_call(
        functools.partial(_blend_body, n, dh),
        grid=(R,),
        in_specs=[
            pl.BlockSpec((1, 1, n2), lambda r: (r, 0, 0)),
            pl.BlockSpec((1, n, 1), lambda r: (r, 0, 0)),
            pl.BlockSpec((1, n2, 1), lambda r: (r, 0, 0)),
            pl.BlockSpec((1, n2, 2 * dh), lambda r: (r, 0, 0)),
            pl.BlockSpec((1, 1, 128), lambda r: (r, 0, 0)),
        ],
        out_specs=pl.BlockSpec((1, 1, n, dh), lambda r: (r // H, r % H, 0, 0)),
        out_shape=jax.ShapeDtypeStruct((B, H, n, dh), jnp.float32),
    )(vals.reshape(R, 1, n2), vals.reshape(R, n2, 1),
      idx.reshape(R, n2, 1), qsel, tb)

    return out

# --- scband reference (transcript-rebuilt; emitter-appended) ---
"""Pipeline reference for scband-dszrc-53171695125255 (READ-ONLY COPY).

The authoritative reference and input builder live on the scoring server;
editing this copy changes nothing except your own understanding.
"""

import jax, jax.numpy as jnp
import numpy as np

def setup_inputs(seed: int = 0):
    key = jax.random.key(seed)
    ks = jax.random.split(key, 8)
    B, S, dx, H, dqk, n = 4, 2048, 1024, 16, 1024, 512
    dh = dqk // H
    x = jax.random.normal(ks[0], (B, S, dx), jnp.float32)
    q = jax.random.normal(ks[1], (B, H, S, dh), jnp.float32)
    mask = jnp.zeros((B, S), jnp.float32)
    W_imp = jax.random.normal(ks[2], (dx, H), jnp.float32) * 0.02
    b_imp = jnp.zeros((H,), jnp.float32)
    extra_token_score_x = jax.random.normal(ks[3], (1, 2 * n, H), jnp.float32)
    extra_token_q = jax.random.normal(ks[4], (1, H, 2 * n, dh), jnp.float32)
    temperature = jnp.ones((1, H, 1, 1), jnp.float32)
    return {"x": x, "q": q, "mask": mask, "W_imp": W_imp, "b_imp": b_imp, "extra_token_score_x": extra_token_score_x, "extra_token_q": extra_token_q, "temperature": temperature}

def reference(x, q, mask, W_imp, b_imp, extra_token_score_x, extra_token_q, temperature):
    B, S, dx = x.shape
    H = W_imp.shape[1]
    n = extra_token_score_x.shape[1] // 2
    key = jax.random.key(42)
    k_g, k_perm = jax.random.split(key)
    # concat learned extra query tokens
    q = jnp.concatenate([q, jnp.broadcast_to(extra_token_q, (B,) + extra_token_q.shape[1:])], axis=2)
    # ImportantScore: per-head linear projection of x plus additive mask
    scores = x @ W_imp + b_imp + mask[:, :, None]
    scores = jnp.concatenate([scores, jnp.broadcast_to(extra_token_score_x, (B, 2 * n, H))], axis=1)
    # gumbel perturbation
    u = jax.random.uniform(k_g, scores.shape, jnp.float32)
    scores = scores - jnp.log(-jnp.log(u + 1e-20) + 1e-20)
    # topk over token dim (per head), sorted descending
    top_vals, top_idx = jax.lax.top_k(jnp.transpose(scores, (0, 2, 1)), 2 * n)
    imp = top_vals[..., None]  # [B,H,2n,1]
    idx = top_idx[..., None]
    q = jnp.take_along_axis(q, idx, axis=2)
    q_top, q_bot = q[:, :, :n], q[:, :, n:]
    imp_top, imp_bot = imp[:, :, :n], imp[:, :, n:]
    # random shuffle of the bottom half
    rnd = jax.random.normal(k_perm, (B, H, n, 1), jnp.float32)
    perm = jnp.argsort(rnd, axis=2)
    q_bot = jnp.take_along_axis(q_bot, perm, axis=2)
    imp_bot = jnp.take_along_axis(imp_bot, perm, axis=2)
    # SoftChooseDenseGrad forward
    imp_Bt = jnp.swapaxes(imp_bot, 2, 3)
    p = jax.nn.sigmoid((imp_top - imp_Bt) / temperature)
    p_mean = p.mean(axis=3, keepdims=True)
    out = p_mean * q_top + ((1.0 - p) / p.shape[3]) @ q_bot
    return out

if __name__ == "__main__":
    import jax
    _d = setup_inputs()
    print(jax.jit(kernel)(*tuple(_d.values())))

</pallas_src>

<mosaic_0001>
#map = affine_map<(d0, d1) -> (0, 0)>
#map1 = affine_map<(d0, d1) -> (0, 0, 0)>
module attributes {stable_mosaic.version = 14 : i64} {
  func.func @body(%arg0: i32, %arg1: i32, %arg2: memref<64x3072xf32, #tpu.memory_space<hbm>>, %arg3: memref<64x3072xi32, #tpu.memory_space<hbm>>, %arg4: memref<73728x128xf32, #tpu.memory_space<hbm>>, %arg5: memref<64x1024xf32, #tpu.memory_space<hbm>>, %arg6: memref<64x1024xi32, #tpu.memory_space<hbm>>, %arg7: memref<64x1024x128xf32, #tpu.memory_space<hbm>>, %arg8: memref<3072xf32, #tpu.memory_space<vmem>>, %arg9: memref<3072xi32, #tpu.memory_space<vmem>>, %arg10: memref<1040xi32, #tpu.memory_space<vmem>>, %arg11: memref<1040xi32, #tpu.memory_space<vmem>>, %arg12: memref<1040xf32, #tpu.memory_space<vmem>>, %arg13: memref<512x128xf32, #tpu.memory_space<vmem>>, %arg14: memref<!tpu.dma_semaphore, #tpu.memory_space<semaphore_mem>>) attributes {dimension_semantics = [#tpu.dimension_semantics<core_parallel>, #tpu.dimension_semantics<subcore_parallel>], iteration_bounds = array<i64: 2, 16>, scalar_prefetch = 0 : i64, scratch_operands = 7 : i64, tpu.core_type = #tpu.core_type<sc_vector_subcore>, window_params = [{transform_indices = #map}, {transform_indices = #map}, {transform_indices = #map}, {transform_indices = #map}, {transform_indices = #map}, {transform_indices = #map1}]} {
    %mul3A = arith.constant 2 : i32
    %mul3A_0 = arith.muli %arg1, %mul3A : i32
    %add3A = arith.addi %mul3A_0, %arg0 : i32
    %mul3A_1 = arith.constant 2 : i32
    %mul3A_2 = arith.muli %add3A, %mul3A_1 : i32
    %add3A_3 = arith.constant 0 : i32
    %add3A_4 = arith.addi %mul3A_2, %add3A_3 : i32
    "tpu.region"() ({
      %run_scoped3A = tpu.sem_alloc : memref<!tpu.dma_semaphore, #tpu.memory_space<semaphore_mem>>
      %dma_start3A_286 = arith.constant 0 : i32
      %dma_start3A_287 = tpu.memref_slice %arg2[%add3A_4, %dma_start3A_286] : memref<64x3072xf32, #tpu.memory_space<hbm>> -> memref<1x3072xf32, #tpu.memory_space<hbm>>
      %dma_start3A_288 = tpu.memref_squeeze %dma_start3A_287 : memref<1x3072xf32, #tpu.memory_space<hbm>> -> memref<3072xf32, #tpu.memory_space<hbm>>
      %dma_start3A_289 = arith.constant 0 : i32
      %dma_start3A_290 = tpu.memref_slice %arg2[%add3A_4, %dma_start3A_289] : memref<64x3072xf32, #tpu.memory_space<hbm>> -> memref<1x3072xf32, #tpu.memory_space<hbm>>
      %dma_start3A_291 = tpu.memref_squeeze %dma_start3A_290 : memref<1x3072xf32, #tpu.memory_space<hbm>> -> memref<3072xf32, #tpu.memory_space<hbm>>
      tpu.enqueue_dma source(%dma_start3A_291 : memref<3072xf32, #tpu.memory_space<hbm>>) target(%arg8 : memref<3072xf32, #tpu.memory_space<vmem>>) target_semaphore(%run_scoped3A : memref<!tpu.dma_semaphore, #tpu.memory_space<semaphore_mem>>)
      %dma_wait3A_292 = arith.constant 0 : i32
      %dma_wait3A_293 = tpu.memref_slice %arg2[%add3A_4, %dma_wait3A_292] : memref<64x3072xf32, #tpu.memory_space<hbm>> -> memref<1x3072xf32, #tpu.memory_space<hbm>>
      %dma_wait3A_294 = tpu.memref_squeeze %dma_wait3A_293 : memref<1x3072xf32, #tpu.memory_space<hbm>> -> memref<3072xf32, #tpu.memory_space<hbm>>
      %dma_wait3A_295 = arith.constant 0 : i32
      %dma_wait3A_296 = tpu.memref_slice %arg2[%add3A_4, %dma_wait3A_295] : memref<64x3072xf32, #tpu.memory_space<hbm>> -> memref<1x3072xf32, #tpu.memory_space<hbm>>
      %dma_wait3A_297 = tpu.memref_squeeze %dma_wait3A_296 : memref<1x3072xf32, #tpu.memory_space<hbm>> -> memref<3072xf32, #tpu.memory_space<hbm>>
      tpu.wait_dma2 semaphore(%run_scoped3A : memref<!tpu.dma_semaphore, #tpu.memory_space<semaphore_mem>>) src(%dma_wait3A_297 : memref<3072xf32, #tpu.memory_space<hbm>>) dst(%arg8 : memref<3072xf32, #tpu.memory_space<vmem>>)
      tpu.yield
    }) : () -> ()
    "tpu.region"() ({
      %run_scoped3A = tpu.sem_alloc : memref<!tpu.dma_semaphore, #tpu.memory_space<semaphore_mem>>
      %dma_start3A_286 = arith.constant 0 : i32
      %dma_start3A_287 = tpu.memref_slice %arg3[%add3A_4, %dma_start3A_286] : memref<64x3072xi32, #tpu.memory_space<hbm>> -> memref<1x3072xi32, #tpu.memory_space<hbm>>
      %dma_start3A_288 = tpu.memref_squeeze %dma_start3A_287 : memref<1x3072xi32, #tpu.memory_space<hbm>> -> memref<3072xi32, #tpu.memory_space<hbm>>
      %dma_start3A_289 = arith.constant 0 : i32
      %dma_start3A_290 = tpu.memref_slice %arg3[%add3A_4, %dma_start3A_289] : memref<64x3072xi32, #tpu.memory_space<hbm>> -> memref<1x3072xi32, #tpu.memory_space<hbm>>
      %dma_start3A_291 = tpu.memref_squeeze %dma_start3A_290 : memref<1x3072xi32, #tpu.memory_space<hbm>> -> memref<3072xi32, #tpu.memory_space<hbm>>
      tpu.enqueue_dma source(%dma_start3A_291 : memref<3072xi32, #tpu.memory_space<hbm>>) target(%arg9 : memref<3072xi32, #tpu.memory_space<vmem>>) target_semaphore(%run_scoped3A : memref<!tpu.dma_semaphore, #tpu.memory_space<semaphore_mem>>)
      %dma_wait3A_292 = arith.constant 0 : i32
      %dma_wait3A_293 = tpu.memref_slice %arg3[%add3A_4, %dma_wait3A_292] : memref<64x3072xi32, #tpu.memory_space<hbm>> -> memref<1x3072xi32, #tpu.memory_space<hbm>>
      %dma_wait3A_294 = tpu.memref_squeeze %dma_wait3A_293 : memref<1x3072xi32, #tpu.memory_space<hbm>> -> memref<3072xi32, #tpu.memory_space<hbm>>
      %dma_wait3A_295 = arith.constant 0 : i32
      %dma_wait3A_296 = tpu.memref_slice %arg3[%add3A_4, %dma_wait3A_295] : memref<64x3072xi32, #tpu.memory_space<hbm>> -> memref<1x3072xi32, #tpu.memory_space<hbm>>
      %dma_wait3A_297 = tpu.memref_squeeze %dma_wait3A_296 : memref<1x3072xi32, #tpu.memory_space<hbm>> -> memref<3072xi32, #tpu.memory_space<hbm>>
      tpu.wait_dma2 semaphore(%run_scoped3A : memref<!tpu.dma_semaphore, #tpu.memory_space<semaphore_mem>>) src(%dma_wait3A_297 : memref<3072xi32, #tpu.memory_space<hbm>>) dst(%arg9 : memref<3072xi32, #tpu.memory_space<vmem>>)
      tpu.yield
    }) : () -> ()
    %scan3A = arith.constant 0 : i32
    %scan3A_5 = arith.constant 0 : i32
    %scan3A_6 = arith.constant 192 : i32
    %scan3A_7 = arith.addi %scan3A_5, %scan3A_6 : i32
    %scan3A_8 = arith.constant 1 : i32
    scf.for %scan3A_286 = %scan3A_5 to %scan3A_7 step %scan3A_8  : i32 {
      %mul3A_287 = arith.constant 16 : i32
      %mul3A_288 = arith.muli %scan3A_286, %mul3A_287 : i32
      %get3A = arith.index_cast %mul3A_288 : i32 to index
      %get3A_289 = tpu.vector_load %arg8[%get3A] {strides = array<i32>} : memref<3072xf32, #tpu.memory_space<vmem>>, vector<16xf32>,
      %mul3A_290 = arith.constant 16 : i32
      %mul3A_291 = arith.muli %scan3A_286, %mul3A_290 : i32
      %get3A_292 = arith.index_cast %mul3A_291 : i32 to index
      %get3A_293 = tpu.vector_load %arg9[%get3A_292] {strides = array<i32>} : memref<3072xi32, #tpu.memory_space<vmem>>, vector<16xi32>,
      %shift_right_arithmetic3A = arith.constant 18 : i32
      %shift_right_arithmetic3A_294 = vector.broadcast %shift_right_arithmetic3A : i32 to vector<16xi32>
      %shift_right_arithmetic3A_295 = arith.shrsi %get3A_293, %shift_right_arithmetic3A_294 : vector<16xi32>
      %and3A = arith.constant 262143 : i32
      %and3A_296 = vector.broadcast %and3A : i32 to vector<16xi32>
      %and3A_297 = arith.andi %get3A_293, %and3A_296 : vector<16xi32>
      tpu.vector_store_idx %arg10[%shift_right_arithmetic3A_295], %and3A_297 : memref<1040xi32, #tpu.memory_space<vmem>>[vector<16xi32>], vector<16xi32>,
      tpu.vector_store_idx %arg12[%shift_right_arithmetic3A_295], %get3A_289 : memref<1040xf32, #tpu.memory_space<vmem>>[vector<16xi32>], vector<16xf32>,
    }
    %scan3A_9 = arith.constant 192 : i32
    %scan3A_10 = arith.constant 0 : i32
    %scan3A_11 = arith.constant 0 : i32
    %scan3A_12 = arith.constant 64 : i32
    %scan3A_13 = arith.addi %scan3A_11, %scan3A_12 : i32
    %scan3A_14 = arith.constant 1 : i32
    scf.for %scan3A_286 = %scan3A_11 to %scan3A_13 step %scan3A_14  : i32 {
      %mul3A_287 = arith.constant 16 : i32
      %mul3A_288 = arith.muli %scan3A_286, %mul3A_287 : i32
      %get3A = arith.index_cast %mul3A_288 : i32 to index
      %get3A_289 = tpu.vector_load %arg10[%get3A] {strides = array<i32>} : memref<1040xi32, #tpu.memory_space<vmem>>, vector<16xi32>,
      %shift_right_arithmetic3A = arith.constant 1 : i32
      %shift_right_arithmetic3A_290 = vector.broadcast %shift_right_arithmetic3A : i32 to vector<16xi32>
      %shift_right_arithmetic3A_291 = arith.shrsi %get3A_289, %shift_right_arithmetic3A_290 : vector<16xi32>
      %mul3A_292 = arith.constant 16 : i32
      %mul3A_293 = arith.muli %scan3A_286, %mul3A_292 : i32
      %swap3A = arith.index_cast %mul3A_293 : i32 to index
      %swap3A_294 = tpu.vector_load %arg11[%swap3A] {strides = array<i32>} : memref<1040xi32, #tpu.memory_space<vmem>>, vector<16xi32>,
      tpu.vector_store %arg11[%swap3A], %shift_right_arithmetic3A_291 {strides = array<i32>} : memref<1040xi32, #tpu.memory_space<vmem>>, vector<16xi32>,
    }
    %scan3A_15 = arith.constant 64 : i32
    "tpu.region"() ({
      %run_scoped3A = tpu.sem_alloc : memref<!tpu.dma_semaphore, #tpu.memory_space<semaphore_mem>>
      %dma_start3A_286 = arith.constant 0 : i32
      %dma_start3A_287 = tpu.memref_slice %arg12[%dma_start3A_286] : memref<1040xf32, #tpu.memory_space<vmem>> -> memref<1024xf32, #tpu.memory_space<vmem>>
      %dma_start3A_288 = arith.constant 0 : i32
      %dma_start3A_289 = tpu.memref_slice %arg5[%add3A_4, %dma_start3A_288] : memref<64x1024xf32, #tpu.memory_space<hbm>> -> memref<1x1024xf32, #tpu.memory_space<hbm>>
      %dma_start3A_290 = tpu.memref_squeeze %dma_start3A_289 : memref<1x1024xf32, #tpu.memory_space<hbm>> -> memref<1024xf32, #tpu.memory_space<hbm>>
      %dma_start3A_291 = arith.constant 0 : i32
      %dma_start3A_292 = tpu.memref_slice %arg5[%add3A_4, %dma_start3A_291] : memref<64x1024xf32, #tpu.memory_space<hbm>> -> memref<1x1024xf32, #tpu.memory_space<hbm>>
      %dma_start3A_293 = tpu.memref_squeeze %dma_start3A_292 : memref<1x1024xf32, #tpu.memory_space<hbm>> -> memref<1024xf32, #tpu.memory_space<hbm>>
      %dma_start3A_294 = arith.constant 0 : i32
      %dma_start3A_295 = tpu.memref_slice %arg12[%dma_start3A_294] : memref<1040xf32, #tpu.memory_space<vmem>> -> memref<1024xf32, #tpu.memory_space<vmem>>
      tpu.enqueue_dma source(%dma_start3A_295 : memref<1024xf32, #tpu.memory_space<vmem>>) target(%dma_start3A_293 : memref<1024xf32, #tpu.memory_space<hbm>>) target_semaphore(%run_scoped3A : memref<!tpu.dma_semaphore, #tpu.memory_space<semaphore_mem>>)
      %dma_wait3A_296 = arith.constant 0 : i32
      %dma_wait3A_297 = tpu.memref_slice %arg12[%dma_wait3A_296] : memref<1040xf32, #tpu.memory_space<vmem>> -> memref<1024xf32, #tpu.memory_space<vmem>>
      %dma_wait3A_298 = arith.constant 0 : i32
      %dma_wait3A_299 = tpu.memref_slice %arg5[%add3A_4, %dma_wait3A_298] : memref<64x1024xf32, #tpu.memory_space<hbm>> -> memref<1x1024xf32, #tpu.memory_space<hbm>>
      %dma_wait3A_300 = tpu.memref_squeeze %dma_wait3A_299 : memref<1x1024xf32, #tpu.memory_space<hbm>> -> memref<1024xf32, #tpu.memory_space<hbm>>
      %dma_wait3A_301 = arith.constant 0 : i32
      %dma_wait3A_302 = tpu.memref_slice %arg5[%add3A_4, %dma_wait3A_301] : memref<64x1024xf32, #tpu.memory_space<hbm>> -> memref<1x1024xf32, #tpu.memory_space<hbm>>
      %dma_wait3A_303 = tpu.memref_squeeze %dma_wait3A_302 : memref<1x1024xf32, #tpu.memory_space<hbm>> -> memref<1024xf32, #tpu.memory_space<hbm>>
      %dma_wait3A_304 = arith.constant 0 : i32
      %dma_wait3A_305 = tpu.memref_slice %arg12[%dma_wait3A_304] : memref<1040xf32, #tpu.memory_space<vmem>> -> memref<1024xf32, #tpu.memory_space<vmem>>
      tpu.wait_dma2 semaphore(%run_scoped3A : memref<!tpu.dma_semaphore, #tpu.memory_space<semaphore_mem>>) src(%dma_wait3A_305 : memref<1024xf32, #tpu.memory_space<vmem>>) dst(%dma_wait3A_303 : memref<1024xf32, #tpu.memory_space<hbm>>)
      tpu.yield
    }) : () -> ()
    "tpu.region"() ({
      %run_scoped3A = tpu.sem_alloc : memref<!tpu.dma_semaphore, #tpu.memory_space<semaphore_mem>>
      %dma_start3A_286 = arith.constant 0 : i32
      %dma_start3A_287 = tpu.memref_slice %arg10[%dma_start3A_286] : memref<1040xi32, #tpu.memory_space<vmem>> -> memref<1024xi32, #tpu.memory_space<vmem>>
      %dma_start3A_288 = arith.constant 0 : i32
      %dma_start3A_289 = tpu.memref_slice %arg6[%add3A_4, %dma_start3A_288] : memref<64x1024xi32, #tpu.memory_space<hbm>> -> memref<1x1024xi32, #tpu.memory_space<hbm>>
      %dma_start3A_290 = tpu.memref_squeeze %dma_start3A_289 : memref<1x1024xi32, #tpu.memory_space<hbm>> -> memref<1024xi32, #tpu.memory_space<hbm>>
      %dma_start3A_291 = arith.constant 0 : i32
      %dma_start3A_292 = tpu.memref_slice %arg6[%add3A_4, %dma_start3A_291] : memref<64x1024xi32, #tpu.memory_space<hbm>> -> memref<1x1024xi32, #tpu.memory_space<hbm>>
      %dma_start3A_293 = tpu.memref_squeeze %dma_start3A_292 : memref<1x1024xi32, #tpu.memory_space<hbm>> -> memref<1024xi32, #tpu.memory_space<hbm>>
      %dma_start3A_294 = arith.constant 0 : i32
      %dma_start3A_295 = tpu.memref_slice %arg10[%dma_start3A_294] : memref<1040xi32, #tpu.memory_space<vmem>> -> memref<1024xi32, #tpu.memory_space<vmem>>
      tpu.enqueue_dma source(%dma_start3A_295 : memref<1024xi32, #tpu.memory_space<vmem>>) target(%dma_start3A_293 : memref<1024xi32, #tpu.memory_space<hbm>>) target_semaphore(%run_scoped3A : memref<!tpu.dma_semaphore, #tpu.memory_space<semaphore_mem>>)
      %dma_wait3A_296 = arith.constant 0 : i32
      %dma_wait3A_297 = tpu.memref_slice %arg10[%dma_wait3A_296] : memref<1040xi32, #tpu.memory_space<vmem>> -> memref<1024xi32, #tpu.memory_space<vmem>>
      %dma_wait3A_298 = arith.constant 0 : i32
      %dma_wait3A_299 = tpu.memref_slice %arg6[%add3A_4, %dma_wait3A_298] : memref<64x1024xi32, #tpu.memory_space<hbm>> -> memref<1x1024xi32, #tpu.memory_space<hbm>>
      %dma_wait3A_300 = tpu.memref_squeeze %dma_wait3A_299 : memref<1x1024xi32, #tpu.memory_space<hbm>> -> memref<1024xi32, #tpu.memory_space<hbm>>
      %dma_wait3A_301 = arith.constant 0 : i32
      %dma_wait3A_302 = tpu.memref_slice %arg6[%add3A_4, %dma_wait3A_301] : memref<64x1024xi32, #tpu.memory_space<hbm>> -> memref<1x1024xi32, #tpu.memory_space<hbm>>
      %dma_wait3A_303 = tpu.memref_squeeze %dma_wait3A_302 : memref<1x1024xi32, #tpu.memory_space<hbm>> -> memref<1024xi32, #tpu.memory_space<hbm>>
      %dma_wait3A_304 = arith.constant 0 : i32
      %dma_wait3A_305 = tpu.memref_slice %arg10[%dma_wait3A_304] : memref<1040xi32, #tpu.memory_space<vmem>> -> memref<1024xi32, #tpu.memory_space<vmem>>
      tpu.wait_dma2 semaphore(%run_scoped3A : memref<!tpu.dma_semaphore, #tpu.memory_space<semaphore_mem>>) src(%dma_wait3A_305 : memref<1024xi32, #tpu.memory_space<vmem>>) dst(%dma_wait3A_303 : memref<1024xi32, #tpu.memory_space<hbm>>)
      tpu.yield
    }) : () -> ()
    %dma_start3A = arith.constant 0 : i32
    %dma_start3A_16 = arith.constant 0 : i32
    %dma_start3A_17 = tpu.memref_slice %arg13[%dma_start3A, %dma_start3A_16] : memref<512x128xf32, #tpu.memory_space<vmem>> -> memref<128x128xf32, #tpu.memory_space<vmem>>
    %dma_start3A_18 = arith.constant 0 : i32
    %dma_start3A_19 = tpu.memref_slice %arg11[%dma_start3A_18] : memref<1040xi32, #tpu.memory_space<vmem>> -> memref<128xi32, #tpu.memory_space<vmem>>
    %dma_start3A_20 = arith.constant 0 : i32
    %dma_start3A_21 = arith.constant 0 : i32
    %dma_start3A_22 = tpu.memref_slice %arg4[%dma_start3A_20, %dma_start3A_21] : memref<73728x128xf32, #tpu.memory_space<hbm>> -> memref<73728x128xf32, #tpu.memory_space<hbm>>
    tpu.enqueue_indirect_dma source(%dma_start3A_22 : memref<73728x128xf32, #tpu.memory_space<hbm>>) target(%dma_start3A_17 : memref<128x128xf32, #tpu.memory_space<vmem>>) offsets(%dma_start3A_19 : memref<128xi32, #tpu.memory_space<vmem>>) semaphore(%arg14 : memref<!tpu.dma_semaphore, #tpu.memory_space<semaphore_mem>>)
    %dma_start3A_23 = arith.constant 128 : i32
    %dma_start3A_24 = arith.constant 0 : i32
    %dma_start3A_25 = tpu.memref_slice %arg13[%dma_start3A_23, %dma_start3A_24] : memref<512x128xf32, #tpu.memory_space<vmem>> -> memref<128x128xf32, #tpu.memory_space<vmem>>
    %dma_start3A_26 = arith.constant 128 : i32
    %dma_start3A_27 = tpu.memref_slice %arg11[%dma_start3A_26] : memref<1040xi32, #tpu.memory_space<vmem>> -> memref<128xi32, #tpu.memory_space<vmem>>
    %dma_start3A_28 = arith.constant 0 : i32
    %dma_start3A_29 = arith.constant 0 : i32
    %dma_start3A_30 = tpu.memref_slice %arg4[%dma_start3A_28, %dma_start3A_29] : memref<73728x128xf32, #tpu.memory_space<hbm>> -> memref<73728x128xf32, #tpu.memory_space<hbm>>
    tpu.enqueue_indirect_dma source(%dma_start3A_30 : memref<73728x128xf32, #tpu.memory_space<hbm>>) target(%dma_start3A_25 : memref<128x128xf32, #tpu.memory_space<vmem>>) offsets(%dma_start3A_27 : memref<128xi32, #tpu.memory_space<vmem>>) semaphore(%arg14 : memref<!tpu.dma_semaphore, #tpu.memory_space<semaphore_mem>>)
    %dma_start3A_31 = arith.constant 256 : i32
    %dma_start3A_32 = arith.constant 0 : i32
    %dma_start3A_33 = tpu.memref_slice %arg13[%dma_start3A_31, %dma_start3A_32] : memref<512x128xf32, #tpu.memory_space<vmem>> -> memref<128x128xf32, #tpu.memory_space<vmem>>
    %dma_start3A_34 = arith.constant 256 : i32
    %dma_start3A_35 = tpu.memref_slice %arg11[%dma_start3A_34] : memref<1040xi32, #tpu.memory_space<vmem>> -> memref<128xi32, #tpu.memory_space<vmem>>
    %dma_start3A_36 = arith.constant 0 : i32
    %dma_start3A_37 = arith.constant 0 : i32
    %dma_start3A_38 = tpu.memref_slice %arg4[%dma_start3A_36, %dma_start3A_37] : memref<73728x128xf32, #tpu.memory_space<hbm>> -> memref<73728x128xf32, #tpu.memory_space<hbm>>
    tpu.enqueue_indirect_dma source(%dma_start3A_38 : memref<73728x128xf32, #tpu.memory_space<hbm>>) target(%dma_start3A_33 : memref<128x128xf32, #tpu.memory_space<vmem>>) offsets(%dma_start3A_35 : memref<128xi32, #tpu.memory_space<vmem>>) semaphore(%arg14 : memref<!tpu.dma_semaphore, #tpu.memory_space<semaphore_mem>>)
    %dma_start3A_39 = arith.constant 384 : i32
    %dma_start3A_40 = arith.constant 0 : i32
    %dma_start3A_41 = tpu.memref_slice %arg13[%dma_start3A_39, %dma_start3A_40] : memref<512x128xf32, #tpu.memory_space<vmem>> -> memref<128x128xf32, #tpu.memory_space<vmem>>
    %dma_start3A_42 = arith.constant 384 : i32
    %dma_start3A_43 = tpu.memref_slice %arg11[%dma_start3A_42] : memref<1040xi32, #tpu.memory_space<vmem>> -> memref<128xi32, #tpu.memory_space<vmem>>
    %dma_start3A_44 = arith.constant 0 : i32
    %dma_start3A_45 = arith.constant 0 : i32
    %dma_start3A_46 = tpu.memref_slice %arg4[%dma_start3A_44, %dma_start3A_45] : memref<73728x128xf32, #tpu.memory_space<hbm>> -> memref<73728x128xf32, #tpu.memory_space<hbm>>
    tpu.enqueue_indirect_dma source(%dma_start3A_46 : memref<73728x128xf32, #tpu.memory_space<hbm>>) target(%dma_start3A_41 : memref<128x128xf32, #tpu.memory_space<vmem>>) offsets(%dma_start3A_43 : memref<128xi32, #tpu.memory_space<vmem>>) semaphore(%arg14 : memref<!tpu.dma_semaphore, #tpu.memory_space<semaphore_mem>>)
    %dma_wait3A = arith.constant 0 : i32
    %dma_wait3A_47 = arith.constant 0 : i32
    %dma_wait3A_48 = tpu.memref_slice %arg13[%dma_wait3A, %dma_wait3A_47] : memref<512x128xf32, #tpu.memory_space<vmem>> -> memref<128x128xf32, #tpu.memory_space<vmem>>
    %dma_wait3A_49 = arith.constant 0 : i32
    %dma_wait3A_50 = tpu.memref_slice %arg11[%dma_wait3A_49] : memref<1040xi32, #tpu.memory_space<vmem>> -> memref<128xi32, #tpu.memory_space<vmem>>
    %dma_wait3A_51 = arith.constant 0 : i32
    %dma_wait3A_52 = arith.constant 0 : i32
    %dma_wait3A_53 = tpu.memref_slice %arg4[%dma_wait3A_51, %dma_wait3A_52] : memref<73728x128xf32, #tpu.memory_space<hbm>> -> memref<73728x128xf32, #tpu.memory_space<hbm>>
    tpu.wait_indirect_dma semaphore(%arg14 : memref<!tpu.dma_semaphore, #tpu.memory_space<semaphore_mem>>) src(%dma_wait3A_53 : memref<73728x128xf32, #tpu.memory_space<hbm>>) dst(%dma_wait3A_48 : memref<128x128xf32, #tpu.memory_space<vmem>>)
    %dma_wait3A_54 = arith.constant 128 : i32
    %dma_wait3A_55 = arith.constant 0 : i32
    %dma_wait3A_56 = tpu.memref_slice %arg13[%dma_wait3A_54, %dma_wait3A_55] : memref<512x128xf32, #tpu.memory_space<vmem>> -> memref<128x128xf32, #tpu.memory_space<vmem>>
    %dma_wait3A_57 = arith.constant 128 : i32
    %dma_wait3A_58 = tpu.memref_slice %arg11[%dma_wait3A_57] : memref<1040xi32, #tpu.memory_space<vmem>> -> memref<128xi32, #tpu.memory_space<vmem>>
    %dma_wait3A_59 = arith.constant 0 : i32
    %dma_wait3A_60 = arith.constant 0 : i32
    %dma_wait3A_61 = tpu.memref_slice %arg4[%dma_wait3A_59, %dma_wait3A_60] : memref<73728x128xf32, #tpu.memory_space<hbm>> -> memref<73728x128xf32, #tpu.memory_space<hbm>>
    tpu.wait_indirect_dma semaphore(%arg14 : memref<!tpu.dma_semaphore, #tpu.memory_space<semaphore_mem>>) src(%dma_wait3A_61 : memref<73728x128xf32, #tpu.memory_space<hbm>>) dst(%dma_wait3A_56 : memref<128x128xf32, #tpu.memory_space<vmem>>)
    %dma_wait3A_62 = arith.constant 256 : i32
    %dma_wait3A_63 = arith.constant 0 : i32
    %dma_wait3A_64 = tpu.memref_slice %arg13[%dma_wait3A_62, %dma_wait3A_63] : memref<512x128xf32, #tpu.memory_space<vmem>> -> memref<128x128xf32, #tpu.memory_space<vmem>>
    %dma_wait3A_65 = arith.constant 256 : i32
    %dma_wait3A_66 = tpu.memref_slice %arg11[%dma_wait3A_65] : memref<1040xi32, #tpu.memory_space<vmem>> -> memref<128xi32, #tpu.memory_space<vmem>>
    %dma_wait3A_67 = arith.constant 0 : i32
    %dma_wait3A_68 = arith.constant 0 : i32
    %dma_wait3A_69 = tpu.memref_slice %arg4[%dma_wait3A_67, %dma_wait3A_68] : memref<73728x128xf32, #tpu.memory_space<hbm>> -> memref<73728x128xf32, #tpu.memory_space<hbm>>
    tpu.wait_indirect_dma semaphore(%arg14 : memref<!tpu.dma_semaphore, #tpu.memory_space<semaphore_mem>>) src(%dma_wait3A_69 : memref<73728x128xf32, #tpu.memory_space<hbm>>) dst(%dma_wait3A_64 : memref<128x128xf32, #tpu.memory_space<vmem>>)
    %dma_wait3A_70 = arith.constant 384 : i32
    %dma_wait3A_71 = arith.constant 0 : i32
    %dma_wait3A_72 = tpu.memref_slice %arg13[%dma_wait3A_70, %dma_wait3A_71] : memref<512x128xf32, #tpu.memory_space<vmem>> -> memref<128x128xf32, #tpu.memory_space<vmem>>
    %dma_wait3A_73 = arith.constant 384 : i32
    %dma_wait3A_74 = tpu.memref_slice %arg11[%dma_wait3A_73] : memref<1040xi32, #tpu.memory_space<vmem>> -> memref<128xi32, #tpu.memory_space<vmem>>
    %dma_wait3A_75 = arith.constant 0 : i32
    %dma_wait3A_76 = arith.constant 0 : i32
    %dma_wait3A_77 = tpu.memref_slice %arg4[%dma_wait3A_75, %dma_wait3A_76] : memref<73728x128xf32, #tpu.memory_space<hbm>> -> memref<73728x128xf32, #tpu.memory_space<hbm>>
    tpu.wait_indirect_dma semaphore(%arg14 : memref<!tpu.dma_semaphore, #tpu.memory_space<semaphore_mem>>) src(%dma_wait3A_77 : memref<73728x128xf32, #tpu.memory_space<hbm>>) dst(%dma_wait3A_72 : memref<128x128xf32, #tpu.memory_space<vmem>>)
    "tpu.region"() ({
      %run_scoped3A = tpu.sem_alloc : memref<!tpu.dma_semaphore, #tpu.memory_space<semaphore_mem>>
      %dma_start3A_286 = arith.constant 0 : i32
      %dma_start3A_287 = arith.constant 0 : i32
      %dma_start3A_288 = tpu.memref_slice %arg7[%add3A_4, %dma_start3A_286, %dma_start3A_287] : memref<64x1024x128xf32, #tpu.memory_space<hbm>> -> memref<1x512x128xf32, #tpu.memory_space<hbm>>
      %dma_start3A_289 = tpu.memref_squeeze %dma_start3A_288 : memref<1x512x128xf32, #tpu.memory_space<hbm>> -> memref<512x128xf32, #tpu.memory_space<hbm>>
      %dma_start3A_290 = arith.constant 0 : i32
      %dma_start3A_291 = arith.constant 0 : i32
      %dma_start3A_292 = tpu.memref_slice %arg7[%add3A_4, %dma_start3A_290, %dma_start3A_291] : memref<64x1024x128xf32, #tpu.memory_space<hbm>> -> memref<1x512x128xf32, #tpu.memory_space<hbm>>
      %dma_start3A_293 = tpu.memref_squeeze %dma_start3A_292 : memref<1x512x128xf32, #tpu.memory_space<hbm>> -> memref<512x128xf32, #tpu.memory_space<hbm>>
      tpu.enqueue_dma source(%arg13 : memref<512x128xf32, #tpu.memory_space<vmem>>) target(%dma_start3A_293 : memref<512x128xf32, #tpu.memory_space<hbm>>) target_semaphore(%run_scoped3A : memref<!tpu.dma_semaphore, #tpu.memory_space<semaphore_mem>>)
      %dma_wait3A_294 = arith.constant 0 : i32
      %dma_wait3A_295 = arith.constant 0 : i32
      %dma_wait3A_296 = tpu.memref_slice %arg7[%add3A_4, %dma_wait3A_294, %dma_wait3A_295] : memref<64x1024x128xf32, #tpu.memory_space<hbm>> -> memref<1x512x128xf32, #tpu.memory_space<hbm>>
      %dma_wait3A_297 = tpu.memref_squeeze %dma_wait3A_296 : memref<1x512x128xf32, #tpu.memory_space<hbm>> -> memref<512x128xf32, #tpu.memory_space<hbm>>
      %dma_wait3A_298 = arith.constant 0 : i32
      %dma_wait3A_299 = arith.constant 0 : i32
      %dma_wait3A_300 = tpu.memref_slice %arg7[%add3A_4, %dma_wait3A_298, %dma_wait3A_299] : memref<64x1024x128xf32, #tpu.memory_space<hbm>> -> memref<1x512x128xf32, #tpu.memory_space<hbm>>
      %dma_wait3A_301 = tpu.memref_squeeze %dma_wait3A_300 : memref<1x512x128xf32, #tpu.memory_space<hbm>> -> memref<512x128xf32, #tpu.memory_space<hbm>>
      tpu.wait_dma2 semaphore(%run_scoped3A : memref<!tpu.dma_semaphore, #tpu.memory_space<semaphore_mem>>) src(%arg13 : memref<512x128xf32, #tpu.memory_space<vmem>>) dst(%dma_wait3A_301 : memref<512x128xf32, #tpu.memory_space<hbm>>)
      tpu.yield
    }) : () -> ()
    %dma_start3A_78 = arith.constant 0 : i32
    %dma_start3A_79 = arith.constant 0 : i32
    %dma_start3A_80 = tpu.memref_slice %arg13[%dma_start3A_78, %dma_start3A_79] : memref<512x128xf32, #tpu.memory_space<vmem>> -> memref<128x128xf32, #tpu.memory_space<vmem>>
    %dma_start3A_81 = arith.constant 512 : i32
    %dma_start3A_82 = tpu.memref_slice %arg11[%dma_start3A_81] : memref<1040xi32, #tpu.memory_space<vmem>> -> memref<128xi32, #tpu.memory_space<vmem>>
    %dma_start3A_83 = arith.constant 0 : i32
    %dma_start3A_84 = arith.constant 0 : i32
    %dma_start3A_85 = tpu.memref_slice %arg4[%dma_start3A_83, %dma_start3A_84] : memref<73728x128xf32, #tpu.memory_space<hbm>> -> memref<73728x128xf32, #tpu.memory_space<hbm>>
    tpu.enqueue_indirect_dma source(%dma_start3A_85 : memref<73728x128xf32, #tpu.memory_space<hbm>>) target(%dma_start3A_80 : memref<128x128xf32, #tpu.memory_space<vmem>>) offsets(%dma_start3A_82 : memref<128xi32, #tpu.memory_space<vmem>>) semaphore(%arg14 : memref<!tpu.dma_semaphore, #tpu.memory_space<semaphore_mem>>)
    %dma_start3A_86 = arith.constant 128 : i32
    %dma_start3A_87 = arith.constant 0 : i32
    %dma_start3A_88 = tpu.memref_slice %arg13[%dma_start3A_86, %dma_start3A_87] : memref<512x128xf32, #tpu.memory_space<vmem>> -> memref<128x128xf32, #tpu.memory_space<vmem>>
    %dma_start3A_89 = arith.constant 640 : i32
    %dma_start3A_90 = tpu.memref_slice %arg11[%dma_start3A_89] : memref<1040xi32, #tpu.memory_space<vmem>> -> memref<128xi32, #tpu.memory_space<vmem>>
    %dma_start3A_91 = arith.constant 0 : i32
    %dma_start3A_92 = arith.constant 0 : i32
    %dma_start3A_93 = tpu.memref_slice %arg4[%dma_start3A_91, %dma_start3A_92] : memref<73728x128xf32, #tpu.memory_space<hbm>> -> memref<73728x128xf32, #tpu.memory_space<hbm>>
    tpu.enqueue_indirect_dma source(%dma_start3A_93 : memref<73728x128xf32, #tpu.memory_space<hbm>>) target(%dma_start3A_88 : memref<128x128xf32, #tpu.memory_space<vmem>>) offsets(%dma_start3A_90 : memref<128xi32, #tpu.memory_space<vmem>>) semaphore(%arg14 : memref<!tpu.dma_semaphore, #tpu.memory_space<semaphore_mem>>)
    %dma_start3A_94 = arith.constant 256 : i32
    %dma_start3A_95 = arith.constant 0 : i32
    %dma_start3A_96 = tpu.memref_slice %arg13[%dma_start3A_94, %dma_start3A_95] : memref<512x128xf32, #tpu.memory_space<vmem>> -> memref<128x128xf32, #tpu.memory_space<vmem>>
    %dma_start3A_97 = arith.constant 768 : i32
    %dma_start3A_98 = tpu.memref_slice %arg11[%dma_start3A_97] : memref<1040xi32, #tpu.memory_space<vmem>> -> memref<128xi32, #tpu.memory_space<vmem>>
    %dma_start3A_99 = arith.constant 0 : i32
    %dma_start3A_100 = arith.constant 0 : i32
    %dma_start3A_101 = tpu.memref_slice %arg4[%dma_start3A_99, %dma_start3A_100] : memref<73728x128xf32, #tpu.memory_space<hbm>> -> memref<73728x128xf32, #tpu.memory_space<hbm>>
    tpu.enqueue_indirect_dma source(%dma_start3A_101 : memref<73728x128xf32, #tpu.memory_space<hbm>>) target(%dma_start3A_96 : memref<128x128xf32, #tpu.memory_space<vmem>>) offsets(%dma_start3A_98 : memref<128xi32, #tpu.memory_space<vmem>>) semaphore(%arg14 : memref<!tpu.dma_semaphore, #tpu.memory_space<semaphore_mem>>)
    %dma_start3A_102 = arith.constant 384 : i32
    %dma_start3A_103 = arith.constant 0 : i32
    %dma_start3A_104 = tpu.memref_slice %arg13[%dma_start3A_102, %dma_start3A_103] : memref<512x128xf32, #tpu.memory_space<vmem>> -> memref<128x128xf32, #tpu.memory_space<vmem>>
    %dma_start3A_105 = arith.constant 896 : i32
    %dma_start3A_106 = tpu.memref_slice %arg11[%dma_start3A_105] : memref<1040xi32, #tpu.memory_space<vmem>> -> memref<128xi32, #tpu.memory_space<vmem>>
    %dma_start3A_107 = arith.constant 0 : i32
    %dma_start3A_108 = arith.constant 0 : i32
    %dma_start3A_109 = tpu.memref_slice %arg4[%dma_start3A_107, %dma_start3A_108] : memref<73728x128xf32, #tpu.memory_space<hbm>> -> memref<73728x128xf32, #tpu.memory_space<hbm>>
    tpu.enqueue_indirect_dma source(%dma_start3A_109 : memref<73728x128xf32, #tpu.memory_space<hbm>>) target(%dma_start3A_104 : memref<128x128xf32, #tpu.memory_space<vmem>>) offsets(%dma_start3A_106 : memref<128xi32, #tpu.memory_space<vmem>>) semaphore(%arg14 : memref<!tpu.dma_semaphore, #tpu.memory_space<semaphore_mem>>)
    %dma_wait3A_110 = arith.constant 0 : i32
    %dma_wait3A_111 = arith.constant 0 : i32
    %dma_wait3A_112 = tpu.memref_slice %arg13[%dma_wait3A_110, %dma_wait3A_111] : memref<512x128xf32, #tpu.memory_space<vmem>> -> memref<128x128xf32, #tpu.memory_space<vmem>>
    %dma_wait3A_113 = arith.constant 512 : i32
    %dma_wait3A_114 = tpu.memref_slice %arg11[%dma_wait3A_113] : memref<1040xi32, #tpu.memory_space<vmem>> -> memref<128xi32, #tpu.memory_space<vmem>>
    %dma_wait3A_115 = arith.constant 0 : i32
    %dma_wait3A_116 = arith.constant 0 : i32
    %dma_wait3A_117 = tpu.memref_slice %arg4[%dma_wait3A_115, %dma_wait3A_116] : memref<73728x128xf32, #tpu.memory_space<hbm>> -> memref<73728x128xf32, #tpu.memory_space<hbm>>
    tpu.wait_indirect_dma semaphore(%arg14 : memref<!tpu.dma_semaphore, #tpu.memory_space<semaphore_mem>>) src(%dma_wait3A_117 : memref<73728x128xf32, #tpu.memory_space<hbm>>) dst(%dma_wait3A_112 : memref<128x128xf32, #tpu.memory_space<vmem>>)
    %dma_wait3A_118 = arith.constant 128 : i32
    %dma_wait3A_119 = arith.constant 0 : i32
    %dma_wait3A_120 = tpu.memref_slice %arg13[%dma_wait3A_118, %dma_wait3A_119] : memref<512x128xf32, #tpu.memory_space<vmem>> -> memref<128x128xf32, #tpu.memory_space<vmem>>
    %dma_wait3A_121 = arith.constant 640 : i32
    %dma_wait3A_122 = tpu.memref_slice %arg11[%dma_wait3A_121] : memref<1040xi32, #tpu.memory_space<vmem>> -> memref<128xi32, #tpu.memory_space<vmem>>
    %dma_wait3A_123 = arith.constant 0 : i32
    %dma_wait3A_124 = arith.constant 0 : i32
    %dma_wait3A_125 = tpu.memref_slice %arg4[%dma_wait3A_123, %dma_wait3A_124] : memref<73728x128xf32, #tpu.memory_space<hbm>> -> memref<73728x128xf32, #tpu.memory_space<hbm>>
    tpu.wait_indirect_dma semaphore(%arg14 : memref<!tpu.dma_semaphore, #tpu.memory_space<semaphore_mem>>) src(%dma_wait3A_125 : memref<73728x128xf32, #tpu.memory_space<hbm>>) dst(%dma_wait3A_120 : memref<128x128xf32, #tpu.memory_space<vmem>>)
    %dma_wait3A_126 = arith.constant 256 : i32
    %dma_wait3A_127 = arith.constant 0 : i32
    %dma_wait3A_128 = tpu.memref_slice %arg13[%dma_wait3A_126, %dma_wait3A_127] : memref<512x128xf32, #tpu.memory_space<vmem>> -> memref<128x128xf32, #tpu.memory_space<vmem>>
    %dma_wait3A_129 = arith.constant 768 : i32
    %dma_wait3A_130 = tpu.memref_slice %arg11[%dma_wait3A_129] : memref<1040xi32, #tpu.memory_space<vmem>> -> memref<128xi32, #tpu.memory_space<vmem>>
    %dma_wait3A_131 = arith.constant 0 : i32
    %dma_wait3A_132 = arith.constant 0 : i32
    %dma_wait3A_133 = tpu.memref_slice %arg4[%dma_wait3A_131, %dma_wait3A_132] : memref<73728x128xf32, #tpu.memory_space<hbm>> -> memref<73728x128xf32, #tpu.memory_space<hbm>>
    tpu.wait_indirect_dma semaphore(%arg14 : memref<!tpu.dma_semaphore, #tpu.memory_space<semaphore_mem>>) src(%dma_wait3A_133 : memref<73728x128xf32, #tpu.memory_space<hbm>>) dst(%dma_wait3A_128 : memref<128x128xf32, #tpu.memory_space<vmem>>)
    %dma_wait3A_134 = arith.constant 384 : i32
    %dma_wait3A_135 = arith.constant 0 : i32
    %dma_wait3A_136 = tpu.memref_slice %arg13[%dma_wait3A_134, %dma_wait3A_135] : memref<512x128xf32, #tpu.memory_space<vmem>> -> memref<128x128xf32, #tpu.memory_space<vmem>>
    %dma_wait3A_137 = arith.constant 896 : i32
    %dma_wait3A_138 = tpu.memref_slice %arg11[%dma_wait3A_137] : memref<1040xi32, #tpu.memory_space<vmem>> -> memref<128xi32, #tpu.memory_space<vmem>>
    %dma_wait3A_139 = arith.constant 0 : i32
    %dma_wait3A_140 = arith.constant 0 : i32
    %dma_wait3A_141 = tpu.memref_slice %arg4[%dma_wait3A_139, %dma_wait3A_140] : memref<73728x128xf32, #tpu.memory_space<hbm>> -> memref<73728x128xf32, #tpu.memory_space<hbm>>
    tpu.wait_indirect_dma semaphore(%arg14 : memref<!tpu.dma_semaphore, #tpu.memory_space<semaphore_mem>>) src(%dma_wait3A_141 : memref<73728x128xf32, #tpu.memory_space<hbm>>) dst(%dma_wait3A_136 : memref<128x128xf32, #tpu.memory_space<vmem>>)
    "tpu.region"() ({
      %run_scoped3A = tpu.sem_alloc : memref<!tpu.dma_semaphore, #tpu.memory_space<semaphore_mem>>
      %dma_start3A_286 = arith.constant 512 : i32
      %dma_start3A_287 = arith.constant 0 : i32
      %dma_start3A_288 = tpu.memref_slice %arg7[%add3A_4, %dma_start3A_286, %dma_start3A_287] : memref<64x1024x128xf32, #tpu.memory_space<hbm>> -> memref<1x512x128xf32, #tpu.memory_space<hbm>>
      %dma_start3A_289 = tpu.memref_squeeze %dma_start3A_288 : memref<1x512x128xf32, #tpu.memory_space<hbm>> -> memref<512x128xf32, #tpu.memory_space<hbm>>
      %dma_start3A_290 = arith.constant 512 : i32
      %dma_start3A_291 = arith.constant 0 : i32
      %dma_start3A_292 = tpu.memref_slice %arg7[%add3A_4, %dma_start3A_290, %dma_start3A_291] : memref<64x1024x128xf32, #tpu.memory_space<hbm>> -> memref<1x512x128xf32, #tpu.memory_space<hbm>>
      %dma_start3A_293 = tpu.memref_squeeze %dma_start3A_292 : memref<1x512x128xf32, #tpu.memory_space<hbm>> -> memref<512x128xf32, #tpu.memory_space<hbm>>
      tpu.enqueue_dma source(%arg13 : memref<512x128xf32, #tpu.memory_space<vmem>>) target(%dma_start3A_293 : memref<512x128xf32, #tpu.memory_space<hbm>>) target_semaphore(%run_scoped3A : memref<!tpu.dma_semaphore, #tpu.memory_space<semaphore_mem>>)
      %dma_wait3A_294 = arith.constant 512 : i32
      %dma_wait3A_295 = arith.constant 0 : i32
      %dma_wait3A_296 = tpu.memref_slice %arg7[%add3A_4, %dma_wait3A_294, %dma_wait3A_295] : memref<64x1024x128xf32, #tpu.memory_space<hbm>> -> memref<1x512x128xf32, #tpu.memory_space<hbm>>
      %dma_wait3A_297 = tpu.memref_squeeze %dma_wait3A_296 : memref<1x512x128xf32, #tpu.memory_space<hbm>> -> memref<512x128xf32, #tpu.memory_space<hbm>>
      %dma_wait3A_298 = arith.constant 512 : i32
      %dma_wait3A_299 = arith.constant 0 : i32
      %dma_wait3A_300 = tpu.memref_slice %arg7[%add3A_4, %dma_wait3A_298, %dma_wait3A_299] : memref<64x1024x128xf32, #tpu.memory_space<hbm>> -> memref<1x512x128xf32, #tpu.memory_space<hbm>>
      %dma_wait3A_301 = tpu.memref_squeeze %dma_wait3A_300 : memref<1x512x128xf32, #tpu.memory_space<hbm>> -> memref<512x128xf32, #tpu.memory_space<hbm>>
      tpu.wait_dma2 semaphore(%run_scoped3A : memref<!tpu.dma_semaphore, #tpu.memory_space<semaphore_mem>>) src(%arg13 : memref<512x128xf32, #tpu.memory_space<vmem>>) dst(%dma_wait3A_301 : memref<512x128xf32, #tpu.memory_space<hbm>>)
      tpu.yield
    }) : () -> ()
    %mul3A_142 = arith.constant 2 : i32
    %mul3A_143 = arith.muli %add3A, %mul3A_142 : i32
    %add3A_144 = arith.constant 1 : i32
    %add3A_145 = arith.addi %mul3A_143, %add3A_144 : i32
    "tpu.region"() ({
      %run_scoped3A = tpu.sem_alloc : memref<!tpu.dma_semaphore, #tpu.memory_space<semaphore_mem>>
      %dma_start3A_286 = arith.constant 0 : i32
      %dma_start3A_287 = tpu.memref_slice %arg2[%add3A_145, %dma_start3A_286] : memref<64x3072xf32, #tpu.memory_space<hbm>> -> memref<1x3072xf32, #tpu.memory_space<hbm>>
      %dma_start3A_288 = tpu.memref_squeeze %dma_start3A_287 : memref<1x3072xf32, #tpu.memory_space<hbm>> -> memref<3072xf32, #tpu.memory_space<hbm>>
      %dma_start3A_289 = arith.constant 0 : i32
      %dma_start3A_290 = tpu.memref_slice %arg2[%add3A_145, %dma_start3A_289] : memref<64x3072xf32, #tpu.memory_space<hbm>> -> memref<1x3072xf32, #tpu.memory_space<hbm>>
      %dma_start3A_291 = tpu.memref_squeeze %dma_start3A_290 : memref<1x3072xf32, #tpu.memory_space<hbm>> -> memref<3072xf32, #tpu.memory_space<hbm>>
      tpu.enqueue_dma source(%dma_start3A_291 : memref<3072xf32, #tpu.memory_space<hbm>>) target(%arg8 : memref<3072xf32, #tpu.memory_space<vmem>>) target_semaphore(%run_scoped3A : memref<!tpu.dma_semaphore, #tpu.memory_space<semaphore_mem>>)
      %dma_wait3A_292 = arith.constant 0 : i32
      %dma_wait3A_293 = tpu.memref_slice %arg2[%add3A_145, %dma_wait3A_292] : memref<64x3072xf32, #tpu.memory_space<hbm>> -> memref<1x3072xf32, #tpu.memory_space<hbm>>
      %dma_wait3A_294 = tpu.memref_squeeze %dma_wait3A_293 : memref<1x3072xf32, #tpu.memory_space<hbm>> -> memref<3072xf32, #tpu.memory_space<hbm>>
      %dma_wait3A_295 = arith.constant 0 : i32
      %dma_wait3A_296 = tpu.memref_slice %arg2[%add3A_145, %dma_wait3A_295] : memref<64x3072xf32, #tpu.memory_space<hbm>> -> memref<1x3072xf32, #tpu.memory_space<hbm>>
      %dma_wait3A_297 = tpu.memref_squeeze %dma_wait3A_296 : memref<1x3072xf32, #tpu.memory_space<hbm>> -> memref<3072xf32, #tpu.memory_space<hbm>>
      tpu.wait_dma2 semaphore(%run_scoped3A : memref<!tpu.dma_semaphore, #tpu.memory_space<semaphore_mem>>) src(%dma_wait3A_297 : memref<3072xf32, #tpu.memory_space<hbm>>) dst(%arg8 : memref<3072xf32, #tpu.memory_space<vmem>>)
      tpu.yield
    }) : () -> ()
    "tpu.region"() ({
      %run_scoped3A = tpu.sem_alloc : memref<!tpu.dma_semaphore, #tpu.memory_space<semaphore_mem>>
      %dma_start3A_286 = arith.constant 0 : i32
      %dma_start3A_287 = tpu.memref_slice %arg3[%add3A_145, %dma_start3A_286] : memref<64x3072xi32, #tpu.memory_space<hbm>> -> memref<1x3072xi32, #tpu.memory_space<hbm>>
      %dma_start3A_288 = tpu.memref_squeeze %dma_start3A_287 : memref<1x3072xi32, #tpu.memory_space<hbm>> -> memref<3072xi32, #tpu.memory_space<hbm>>
      %dma_start3A_289 = arith.constant 0 : i32
      %dma_start3A_290 = tpu.memref_slice %arg3[%add3A_145, %dma_start3A_289] : memref<64x3072xi32, #tpu.memory_space<hbm>> -> memref<1x3072xi32, #tpu.memory_space<hbm>>
      %dma_start3A_291 = tpu.memref_squeeze %dma_start3A_290 : memref<1x3072xi32, #tpu.memory_space<hbm>> -> memref<3072xi32, #tpu.memory_space<hbm>>
      tpu.enqueue_dma source(%dma_start3A_291 : memref<3072xi32, #tpu.memory_space<hbm>>) target(%arg9 : memref<3072xi32, #tpu.memory_space<vmem>>) target_semaphore(%run_scoped3A : memref<!tpu.dma_semaphore, #tpu.memory_space<semaphore_mem>>)
      %dma_wait3A_292 = arith.constant 0 : i32
      %dma_wait3A_293 = tpu.memref_slice %arg3[%add3A_145, %dma_wait3A_292] : memref<64x3072xi32, #tpu.memory_space<hbm>> -> memref<1x3072xi32, #tpu.memory_space<hbm>>
      %dma_wait3A_294 = tpu.memref_squeeze %dma_wait3A_293 : memref<1x3072xi32, #tpu.memory_space<hbm>> -> memref<3072xi32, #tpu.memory_space<hbm>>
      %dma_wait3A_295 = arith.constant 0 : i32
      %dma_wait3A_296 = tpu.memref_slice %arg3[%add3A_145, %dma_wait3A_295] : memref<64x3072xi32, #tpu.memory_space<hbm>> -> memref<1x3072xi32, #tpu.memory_space<hbm>>
      %dma_wait3A_297 = tpu.memref_squeeze %dma_wait3A_296 : memref<1x3072xi32, #tpu.memory_space<hbm>> -> memref<3072xi32, #tpu.memory_space<hbm>>
      tpu.wait_dma2 semaphore(%run_scoped3A : memref<!tpu.dma_semaphore, #tpu.memory_space<semaphore_mem>>) src(%dma_wait3A_297 : memref<3072xi32, #tpu.memory_space<hbm>>) dst(%arg9 : memref<3072xi32, #tpu.memory_space<vmem>>)
      tpu.yield
    }) : () -> ()
    %scan3A_146 = arith.constant 0 : i32
    %scan3A_147 = arith.constant 0 : i32
    %scan3A_148 = arith.constant 192 : i32
    %scan3A_149 = arith.addi %scan3A_147, %scan3A_148 : i32
    %scan3A_150 = arith.constant 1 : i32
    scf.for %scan3A_286 = %scan3A_147 to %scan3A_149 step %scan3A_150  : i32 {
      %mul3A_287 = arith.constant 16 : i32
      %mul3A_288 = arith.muli %scan3A_286, %mul3A_287 : i32
      %get3A = arith.index_cast %mul3A_288 : i32 to index
      %get3A_289 = tpu.vector_load %arg8[%get3A] {strides = array<i32>} : memref<3072xf32, #tpu.memory_space<vmem>>, vector<16xf32>,
      %mul3A_290 = arith.constant 16 : i32
      %mul3A_291 = arith.muli %scan3A_286, %mul3A_290 : i32
      %get3A_292 = arith.index_cast %mul3A_291 : i32 to index
      %get3A_293 = tpu.vector_load %arg9[%get3A_292] {strides = array<i32>} : memref<3072xi32, #tpu.memory_space<vmem>>, vector<16xi32>,
      %shift_right_arithmetic3A = arith.constant 18 : i32
      %shift_right_arithmetic3A_294 = vector.broadcast %shift_right_arithmetic3A : i32 to vector<16xi32>
      %shift_right_arithmetic3A_295 = arith.shrsi %get3A_293, %shift_right_arithmetic3A_294 : vector<16xi32>
      %and3A = arith.constant 262143 : i32
      %and3A_296 = vector.broadcast %and3A : i32 to vector<16xi32>
      %and3A_297 = arith.andi %get3A_293, %and3A_296 : vector<16xi32>
      tpu.vector_store_idx %arg10[%shift_right_arithmetic3A_295], %and3A_297 : memref<1040xi32, #tpu.memory_space<vmem>>[vector<16xi32>], vector<16xi32>,
      tpu.vector_store_idx %arg12[%shift_right_arithmetic3A_295], %get3A_289 : memref<1040xf32, #tpu.memory_space<vmem>>[vector<16xi32>], vector<16xf32>,
    }
    %scan3A_151 = arith.constant 192 : i32
    %scan3A_152 = arith.constant 0 : i32
    %scan3A_153 = arith.constant 0 : i32
    %scan3A_154 = arith.constant 64 : i32
    %scan3A_155 = arith.addi %scan3A_153, %scan3A_154 : i32
    %scan3A_156 = arith.constant 1 : i32
    scf.for %scan3A_286 = %scan3A_153 to %scan3A_155 step %scan3A_156  : i32 {
      %mul3A_287 = arith.constant 16 : i32
      %mul3A_288 = arith.muli %scan3A_286, %mul3A_287 : i32
      %get3A = arith.index_cast %mul3A_288 : i32 to index
      %get3A_289 = tpu.vector_load %arg10[%get3A] {strides = array<i32>} : memref<1040xi32, #tpu.memory_space<vmem>>, vector<16xi32>,
      %shift_right_arithmetic3A = arith.constant 1 : i32
      %shift_right_arithmetic3A_290 = vector.broadcast %shift_right_arithmetic3A : i32 to vector<16xi32>
      %shift_right_arithmetic3A_291 = arith.shrsi %get3A_289, %shift_right_arithmetic3A_290 : vector<16xi32>
      %mul3A_292 = arith.constant 16 : i32
      %mul3A_293 = arith.muli %scan3A_286, %mul3A_292 : i32
      %swap3A = arith.index_cast %mul3A_293 : i32 to index
      %swap3A_294 = tpu.vector_load %arg11[%swap3A] {strides = array<i32>} : memref<1040xi32, #tpu.memory_space<vmem>>, vector<16xi32>,
      tpu.vector_store %arg11[%swap3A], %shift_right_arithmetic3A_291 {strides = array<i32>} : memref<1040xi32, #tpu.memory_space<vmem>>, vector<16xi32>,
    }
    %scan3A_157 = arith.constant 64 : i32
    "tpu.region"() ({
      %run_scoped3A = tpu.sem_alloc : memref<!tpu.dma_semaphore, #tpu.memory_space<semaphore_mem>>
      %dma_start3A_286 = arith.constant 0 : i32
      %dma_start3A_287 = tpu.memref_slice %arg12[%dma_start3A_286] : memref<1040xf32, #tpu.memory_space<vmem>> -> memref<1024xf32, #tpu.memory_space<vmem>>
      %dma_start3A_288 = arith.constant 0 : i32
      %dma_start3A_289 = tpu.memref_slice %arg5[%add3A_145, %dma_start3A_288] : memref<64x1024xf32, #tpu.memory_space<hbm>> -> memref<1x1024xf32, #tpu.memory_space<hbm>>
      %dma_start3A_290 = tpu.memref_squeeze %dma_start3A_289 : memref<1x1024xf32, #tpu.memory_space<hbm>> -> memref<1024xf32, #tpu.memory_space<hbm>>
      %dma_start3A_291 = arith.constant 0 : i32
      %dma_start3A_292 = tpu.memref_slice %arg5[%add3A_145, %dma_start3A_291] : memref<64x1024xf32, #tpu.memory_space<hbm>> -> memref<1x1024xf32, #tpu.memory_space<hbm>>
      %dma_start3A_293 = tpu.memref_squeeze %dma_start3A_292 : memref<1x1024xf32, #tpu.memory_space<hbm>> -> memref<1024xf32, #tpu.memory_space<hbm>>
      %dma_start3A_294 = arith.constant 0 : i32
      %dma_start3A_295 = tpu.memref_slice %arg12[%dma_start3A_294] : memref<1040xf32, #tpu.memory_space<vmem>> -> memref<1024xf32, #tpu.memory_space<vmem>>
      tpu.enqueue_dma source(%dma_start3A_295 : memref<1024xf32, #tpu.memory_space<vmem>>) target(%dma_start3A_293 : memref<1024xf32, #tpu.memory_space<hbm>>) target_semaphore(%run_scoped3A : memref<!tpu.dma_semaphore, #tpu.memory_space<semaphore_mem>>)
      %dma_wait3A_296 = arith.constant 0 : i32
      %dma_wait3A_297 = tpu.memref_slice %arg12[%dma_wait3A_296] : memref<1040xf32, #tpu.memory_space<vmem>> -> memref<1024xf32, #tpu.memory_space<vmem>>
      %dma_wait3A_298 = arith.constant 0 : i32
      %dma_wait3A_299 = tpu.memref_slice %arg5[%add3A_145, %dma_wait3A_298] : memref<64x1024xf32, #tpu.memory_space<hbm>> -> memref<1x1024xf32, #tpu.memory_space<hbm>>
      %dma_wait3A_300 = tpu.memref_squeeze %dma_wait3A_299 : memref<1x1024xf32, #tpu.memory_space<hbm>> -> memref<1024xf32, #tpu.memory_space<hbm>>
      %dma_wait3A_301 = arith.constant 0 : i32
      %dma_wait3A_302 = tpu.memref_slice %arg5[%add3A_145, %dma_wait3A_301] : memref<64x1024xf32, #tpu.memory_space<hbm>> -> memref<1x1024xf32, #tpu.memory_space<hbm>>
      %dma_wait3A_303 = tpu.memref_squeeze %dma_wait3A_302 : memref<1x1024xf32, #tpu.memory_space<hbm>> -> memref<1024xf32, #tpu.memory_space<hbm>>
      %dma_wait3A_304 = arith.constant 0 : i32
      %dma_wait3A_305 = tpu.memref_slice %arg12[%dma_wait3A_304] : memref<1040xf32, #tpu.memory_space<vmem>> -> memref<1024xf32, #tpu.memory_space<vmem>>
      tpu.wait_dma2 semaphore(%run_scoped3A : memref<!tpu.dma_semaphore, #tpu.memory_space<semaphore_mem>>) src(%dma_wait3A_305 : memref<1024xf32, #tpu.memory_space<vmem>>) dst(%dma_wait3A_303 : memref<1024xf32, #tpu.memory_space<hbm>>)
      tpu.yield
    }) : () -> ()
    "tpu.region"() ({
      %run_scoped3A = tpu.sem_alloc : memref<!tpu.dma_semaphore, #tpu.memory_space<semaphore_mem>>
      %dma_start3A_286 = arith.constant 0 : i32
      %dma_start3A_287 = tpu.memref_slice %arg10[%dma_start3A_286] : memref<1040xi32, #tpu.memory_space<vmem>> -> memref<1024xi32, #tpu.memory_space<vmem>>
      %dma_start3A_288 = arith.constant 0 : i32
      %dma_start3A_289 = tpu.memref_slice %arg6[%add3A_145, %dma_start3A_288] : memref<64x1024xi32, #tpu.memory_space<hbm>> -> memref<1x1024xi32, #tpu.memory_space<hbm>>
      %dma_start3A_290 = tpu.memref_squeeze %dma_start3A_289 : memref<1x1024xi32, #tpu.memory_space<hbm>> -> memref<1024xi32, #tpu.memory_space<hbm>>
      %dma_start3A_291 = arith.constant 0 : i32
      %dma_start3A_292 = tpu.memref_slice %arg6[%add3A_145, %dma_start3A_291] : memref<64x1024xi32, #tpu.memory_space<hbm>> -> memref<1x1024xi32, #tpu.memory_space<hbm>>
      %dma_start3A_293 = tpu.memref_squeeze %dma_start3A_292 : memref<1x1024xi32, #tpu.memory_space<hbm>> -> memref<1024xi32, #tpu.memory_space<hbm>>
      %dma_start3A_294 = arith.constant 0 : i32
      %dma_start3A_295 = tpu.memref_slice %arg10[%dma_start3A_294] : memref<1040xi32, #tpu.memory_space<vmem>> -> memref<1024xi32, #tpu.memory_space<vmem>>
      tpu.enqueue_dma source(%dma_start3A_295 : memref<1024xi32, #tpu.memory_space<vmem>>) target(%dma_start3A_293 : memref<1024xi32, #tpu.memory_space<hbm>>) target_semaphore(%run_scoped3A : memref<!tpu.dma_semaphore, #tpu.memory_space<semaphore_mem>>)
      %dma_wait3A_296 = arith.constant 0 : i32
      %dma_wait3A_297 = tpu.memref_slice %arg10[%dma_wait3A_296] : memref<1040xi32, #tpu.memory_space<vmem>> -> memref<1024xi32, #tpu.memory_space<vmem>>
      %dma_wait3A_298 = arith.constant 0 : i32
      %dma_wait3A_299 = tpu.memref_slice %arg6[%add3A_145, %dma_wait3A_298] : memref<64x1024xi32, #tpu.memory_space<hbm>> -> memref<1x1024xi32, #tpu.memory_space<hbm>>
      %dma_wait3A_300 = tpu.memref_squeeze %dma_wait3A_299 : memref<1x1024xi32, #tpu.memory_space<hbm>> -> memref<1024xi32, #tpu.memory_space<hbm>>
      %dma_wait3A_301 = arith.constant 0 : i32
      %dma_wait3A_302 = tpu.memref_slice %arg6[%add3A_145, %dma_wait3A_301] : memref<64x1024xi32, #tpu.memory_space<hbm>> -> memref<1x1024xi32, #tpu.memory_space<hbm>>
      %dma_wait3A_303 = tpu.memref_squeeze %dma_wait3A_302 : memref<1x1024xi32, #tpu.memory_space<hbm>> -> memref<1024xi32, #tpu.memory_space<hbm>>
      %dma_wait3A_304 = arith.constant 0 : i32
      %dma_wait3A_305 = tpu.memref_slice %arg10[%dma_wait3A_304] : memref<1040xi32, #tpu.memory_space<vmem>> -> memref<1024xi32, #tpu.memory_space<vmem>>
      tpu.wait_dma2 semaphore(%run_scoped3A : memref<!tpu.dma_semaphore, #tpu.memory_space<semaphore_mem>>) src(%dma_wait3A_305 : memref<1024xi32, #tpu.memory_space<vmem>>) dst(%dma_wait3A_303 : memref<1024xi32, #tpu.memory_space<hbm>>)
      tpu.yield
    }) : () -> ()
    %dma_start3A_158 = arith.constant 0 : i32
    %dma_start3A_159 = arith.constant 0 : i32
    %dma_start3A_160 = tpu.memref_slice %arg13[%dma_start3A_158, %dma_start3A_159] : memref<512x128xf32, #tpu.memory_space<vmem>> -> memref<128x128xf32, #tpu.memory_space<vmem>>
    %dma_start3A_161 = arith.constant 0 : i32
    %dma_start3A_162 = tpu.memref_slice %arg11[%dma_start3A_161] : memref<1040xi32, #tpu.memory_space<vmem>> -> memref<128xi32, #tpu.memory_space<vmem>>
    %dma_start3A_163 = arith.constant 0 : i32
    %dma_start3A_164 = arith.constant 0 : i32
    %dma_start3A_165 = tpu.memref_slice %arg4[%dma_start3A_163, %dma_start3A_164] : memref<73728x128xf32, #tpu.memory_space<hbm>> -> memref<73728x128xf32, #tpu.memory_space<hbm>>
    tpu.enqueue_indirect_dma source(%dma_start3A_165 : memref<73728x128xf32, #tpu.memory_space<hbm>>) target(%dma_start3A_160 : memref<128x128xf32, #tpu.memory_space<vmem>>) offsets(%dma_start3A_162 : memref<128xi32, #tpu.memory_space<vmem>>) semaphore(%arg14 : memref<!tpu.dma_semaphore, #tpu.memory_space<semaphore_mem>>)
    %dma_start3A_166 = arith.constant 128 : i32
    %dma_start3A_167 = arith.constant 0 : i32
    %dma_start3A_168 = tpu.memref_slice %arg13[%dma_start3A_166, %dma_start3A_167] : memref<512x128xf32, #tpu.memory_space<vmem>> -> memref<128x128xf32, #tpu.memory_space<vmem>>
    %dma_start3A_169 = arith.constant 128 : i32
    %dma_start3A_170 = tpu.memref_slice %arg11[%dma_start3A_169] : memref<1040xi32, #tpu.memory_space<vmem>> -> memref<128xi32, #tpu.memory_space<vmem>>
    %dma_start3A_171 = arith.constant 0 : i32
    %dma_start3A_172 = arith.constant 0 : i32
    %dma_start3A_173 = tpu.memref_slice %arg4[%dma_start3A_171, %dma_start3A_172] : memref<73728x128xf32, #tpu.memory_space<hbm>> -> memref<73728x128xf32, #tpu.memory_space<hbm>>
    tpu.enqueue_indirect_dma source(%dma_start3A_173 : memref<73728x128xf32, #tpu.memory_space<hbm>>) target(%dma_start3A_168 : memref<128x128xf32, #tpu.memory_space<vmem>>) offsets(%dma_start3A_170 : memref<128xi32, #tpu.memory_space<vmem>>) semaphore(%arg14 : memref<!tpu.dma_semaphore, #tpu.memory_space<semaphore_mem>>)
    %dma_start3A_174 = arith.constant 256 : i32
    %dma_start3A_175 = arith.constant 0 : i32
    %dma_start3A_176 = tpu.memref_slice %arg13[%dma_start3A_174, %dma_start3A_175] : memref<512x128xf32, #tpu.memory_space<vmem>> -> memref<128x128xf32, #tpu.memory_space<vmem>>
    %dma_start3A_177 = arith.constant 256 : i32
    %dma_start3A_178 = tpu.memref_slice %arg11[%dma_start3A_177] : memref<1040xi32, #tpu.memory_space<vmem>> -> memref<128xi32, #tpu.memory_space<vmem>>
    %dma_start3A_179 = arith.constant 0 : i32
    %dma_start3A_180 = arith.constant 0 : i32
    %dma_start3A_181 = tpu.memref_slice %arg4[%dma_start3A_179, %dma_start3A_180] : memref<73728x128xf32, #tpu.memory_space<hbm>> -> memref<73728x128xf32, #tpu.memory_space<hbm>>
    tpu.enqueue_indirect_dma source(%dma_start3A_181 : memref<73728x128xf32, #tpu.memory_space<hbm>>) target(%dma_start3A_176 : memref<128x128xf32, #tpu.memory_space<vmem>>) offsets(%dma_start3A_178 : memref<128xi32, #tpu.memory_space<vmem>>) semaphore(%arg14 : memref<!tpu.dma_semaphore, #tpu.memory_space<semaphore_mem>>)
    %dma_start3A_182 = arith.constant 384 : i32
    %dma_start3A_183 = arith.constant 0 : i32
    %dma_start3A_184 = tpu.memref_slice %arg13[%dma_start3A_182, %dma_start3A_183] : memref<512x128xf32, #tpu.memory_space<vmem>> -> memref<128x128xf32, #tpu.memory_space<vmem>>
    %dma_start3A_185 = arith.constant 384 : i32
    %dma_start3A_186 = tpu.memref_slice %arg11[%dma_start3A_185] : memref<1040xi32, #tpu.memory_space<vmem>> -> memref<128xi32, #tpu.memory_space<vmem>>
    %dma_start3A_187 = arith.constant 0 : i32
    %dma_start3A_188 = arith.constant 0 : i32
    %dma_start3A_189 = tpu.memref_slice %arg4[%dma_start3A_187, %dma_start3A_188] : memref<73728x128xf32, #tpu.memory_space<hbm>> -> memref<73728x128xf32, #tpu.memory_space<hbm>>
    tpu.enqueue_indirect_dma source(%dma_start3A_189 : memref<73728x128xf32, #tpu.memory_space<hbm>>) target(%dma_start3A_184 : memref<128x128xf32, #tpu.memory_space<vmem>>) offsets(%dma_start3A_186 : memref<128xi32, #tpu.memory_space<vmem>>) semaphore(%arg14 : memref<!tpu.dma_semaphore, #tpu.memory_space<semaphore_mem>>)
    %dma_wait3A_190 = arith.constant 0 : i32
    %dma_wait3A_191 = arith.constant 0 : i32
    %dma_wait3A_192 = tpu.memref_slice %arg13[%dma_wait3A_190, %dma_wait3A_191] : memref<512x128xf32, #tpu.memory_space<vmem>> -> memref<128x128xf32, #tpu.memory_space<vmem>>
    %dma_wait3A_193 = arith.constant 0 : i32
    %dma_wait3A_194 = tpu.memref_slice %arg11[%dma_wait3A_193] : memref<1040xi32, #tpu.memory_space<vmem>> -> memref<128xi32, #tpu.memory_space<vmem>>
    %dma_wait3A_195 = arith.constant 0 : i32
    %dma_wait3A_196 = arith.constant 0 : i32
    %dma_wait3A_197 = tpu.memref_slice %arg4[%dma_wait3A_195, %dma_wait3A_196] : memref<73728x128xf32, #tpu.memory_space<hbm>> -> memref<73728x128xf32, #tpu.memory_space<hbm>>
    tpu.wait_indirect_dma semaphore(%arg14 : memref<!tpu.dma_semaphore, #tpu.memory_space<semaphore_mem>>) src(%dma_wait3A_197 : memref<73728x128xf32, #tpu.memory_space<hbm>>) dst(%dma_wait3A_192 : memref<128x128xf32, #tpu.memory_space<vmem>>)
    %dma_wait3A_198 = arith.constant 128 : i32
    %dma_wait3A_199 = arith.constant 0 : i32
    %dma_wait3A_200 = tpu.memref_slice %arg13[%dma_wait3A_198, %dma_wait3A_199] : memref<512x128xf32, #tpu.memory_space<vmem>> -> memref<128x128xf32, #tpu.memory_space<vmem>>
    %dma_wait3A_201 = arith.constant 128 : i32
    %dma_wait3A_202 = tpu.memref_slice %arg11[%dma_wait3A_201] : memref<1040xi32, #tpu.memory_space<vmem>> -> memref<128xi32, #tpu.memory_space<vmem>>
    %dma_wait3A_203 = arith.constant 0 : i32
    %dma_wait3A_204 = arith.constant 0 : i32
    %dma_wait3A_205 = tpu.memref_slice %arg4[%dma_wait3A_203, %dma_wait3A_204] : memref<73728x128xf32, #tpu.memory_space<hbm>> -> memref<73728x128xf32, #tpu.memory_space<hbm>>
    tpu.wait_indirect_dma semaphore(%arg14 : memref<!tpu.dma_semaphore, #tpu.memory_space<semaphore_mem>>) src(%dma_wait3A_205 : memref<73728x128xf32, #tpu.memory_space<hbm>>) dst(%dma_wait3A_200 : memref<128x128xf32, #tpu.memory_space<vmem>>)
    %dma_wait3A_206 = arith.constant 256 : i32
    %dma_wait3A_207 = arith.constant 0 : i32
    %dma_wait3A_208 = tpu.memref_slice %arg13[%dma_wait3A_206, %dma_wait3A_207] : memref<512x128xf32, #tpu.memory_space<vmem>> -> memref<128x128xf32, #tpu.memory_space<vmem>>
    %dma_wait3A_209 = arith.constant 256 : i32
    %dma_wait3A_210 = tpu.memref_slice %arg11[%dma_wait3A_209] : memref<1040xi32, #tpu.memory_space<vmem>> -> memref<128xi32, #tpu.memory_space<vmem>>
    %dma_wait3A_211 = arith.constant 0 : i32
    %dma_wait3A_212 = arith.constant 0 : i32
    %dma_wait3A_213 = tpu.memref_slice %arg4[%dma_wait3A_211, %dma_wait3A_212] : memref<73728x128xf32, #tpu.memory_space<hbm>> -> memref<73728x128xf32, #tpu.memory_space<hbm>>
    tpu.wait_indirect_dma semaphore(%arg14 : memref<!tpu.dma_semaphore, #tpu.memory_space<semaphore_mem>>) src(%dma_wait3A_213 : memref<73728x128xf32, #tpu.memory_space<hbm>>) dst(%dma_wait3A_208 : memref<128x128xf32, #tpu.memory_space<vmem>>)
    %dma_wait3A_214 = arith.constant 384 : i32
    %dma_wait3A_215 = arith.constant 0 : i32
    %dma_wait3A_216 = tpu.memref_slice %arg13[%dma_wait3A_214, %dma_wait3A_215] : memref<512x128xf32, #tpu.memory_space<vmem>> -> memref<128x128xf32, #tpu.memory_space<vmem>>
    %dma_wait3A_217 = arith.constant 384 : i32
    %dma_wait3A_218 = tpu.memref_slice %arg11[%dma_wait3A_217] : memref<1040xi32, #tpu.memory_space<vmem>> -> memref<128xi32, #tpu.memory_space<vmem>>
    %dma_wait3A_219 = arith.constant 0 : i32
    %dma_wait3A_220 = arith.constant 0 : i32
    %dma_wait3A_221 = tpu.memref_slice %arg4[%dma_wait3A_219, %dma_wait3A_220] : memref<73728x128xf32, #tpu.memory_space<hbm>> -> memref<73728x128xf32, #tpu.memory_space<hbm>>
    tpu.wait_indirect_dma semaphore(%arg14 : memref<!tpu.dma_semaphore, #tpu.memory_space<semaphore_mem>>) src(%dma_wait3A_221 : memref<73728x128xf32, #tpu.memory_space<hbm>>) dst(%dma_wait3A_216 : memref<128x128xf32, #tpu.memory_space<vmem>>)
    "tpu.region"() ({
      %run_scoped3A = tpu.sem_alloc : memref<!tpu.dma_semaphore, #tpu.memory_space<semaphore_mem>>
      %dma_start3A_286 = arith.constant 0 : i32
      %dma_start3A_287 = arith.constant 0 : i32
      %dma_start3A_288 = tpu.memref_slice %arg7[%add3A_145, %dma_start3A_286, %dma_start3A_287] : memref<64x1024x128xf32, #tpu.memory_space<hbm>> -> memref<1x512x128xf32, #tpu.memory_space<hbm>>
      %dma_start3A_289 = tpu.memref_squeeze %dma_start3A_288 : memref<1x512x128xf32, #tpu.memory_space<hbm>> -> memref<512x128xf32, #tpu.memory_space<hbm>>
      %dma_start3A_290 = arith.constant 0 : i32
      %dma_start3A_291 = arith.constant 0 : i32
      %dma_start3A_292 = tpu.memref_slice %arg7[%add3A_145, %dma_start3A_290, %dma_start3A_291] : memref<64x1024x128xf32, #tpu.memory_space<hbm>> -> memref<1x512x128xf32, #tpu.memory_space<hbm>>
      %dma_start3A_293 = tpu.memref_squeeze %dma_start3A_292 : memref<1x512x128xf32, #tpu.memory_space<hbm>> -> memref<512x128xf32, #tpu.memory_space<hbm>>
      tpu.enqueue_dma source(%arg13 : memref<512x128xf32, #tpu.memory_space<vmem>>) target(%dma_start3A_293 : memref<512x128xf32, #tpu.memory_space<hbm>>) target_semaphore(%run_scoped3A : memref<!tpu.dma_semaphore, #tpu.memory_space<semaphore_mem>>)
      %dma_wait3A_294 = arith.constant 0 : i32
      %dma_wait3A_295 = arith.constant 0 : i32
      %dma_wait3A_296 = tpu.memref_slice %arg7[%add3A_145, %dma_wait3A_294, %dma_wait3A_295] : memref<64x1024x128xf32, #tpu.memory_space<hbm>> -> memref<1x512x128xf32, #tpu.memory_space<hbm>>
      %dma_wait3A_297 = tpu.memref_squeeze %dma_wait3A_296 : memref<1x512x128xf32, #tpu.memory_space<hbm>> -> memref<512x128xf32, #tpu.memory_space<hbm>>
      %dma_wait3A_298 = arith.constant 0 : i32
      %dma_wait3A_299 = arith.constant 0 : i32
      %dma_wait3A_300 = tpu.memref_slice %arg7[%add3A_145, %dma_wait3A_298, %dma_wait3A_299] : memref<64x1024x128xf32, #tpu.memory_space<hbm>> -> memref<1x512x128xf32, #tpu.memory_space<hbm>>
      %dma_wait3A_301 = tpu.memref_squeeze %dma_wait3A_300 : memref<1x512x128xf32, #tpu.memory_space<hbm>> -> memref<512x128xf32, #tpu.memory_space<hbm>>
      tpu.wait_dma2 semaphore(%run_scoped3A : memref<!tpu.dma_semaphore, #tpu.memory_space<semaphore_mem>>) src(%arg13 : memref<512x128xf32, #tpu.memory_space<vmem>>) dst(%dma_wait3A_301 : memref<512x128xf32, #tpu.memory_space<hbm>>)
      tpu.yield
    }) : () -> ()
    %dma_start3A_222 = arith.constant 0 : i32
    %dma_start3A_223 = arith.constant 0 : i32
    %dma_start3A_224 = tpu.memref_slice %arg13[%dma_start3A_222, %dma_start3A_223] : memref<512x128xf32, #tpu.memory_space<vmem>> -> memref<128x128xf32, #tpu.memory_space<vmem>>
    %dma_start3A_225 = arith.constant 512 : i32
    %dma_start3A_226 = tpu.memref_slice %arg11[%dma_start3A_225] : memref<1040xi32, #tpu.memory_space<vmem>> -> memref<128xi32, #tpu.memory_space<vmem>>
    %dma_start3A_227 = arith.constant 0 : i32
    %dma_start3A_228 = arith.constant 0 : i32
    %dma_start3A_229 = tpu.memref_slice %arg4[%dma_start3A_227, %dma_start3A_228] : memref<73728x128xf32, #tpu.memory_space<hbm>> -> memref<73728x128xf32, #tpu.memory_space<hbm>>
    tpu.enqueue_indirect_dma source(%dma_start3A_229 : memref<73728x128xf32, #tpu.memory_space<hbm>>) target(%dma_start3A_224 : memref<128x128xf32, #tpu.memory_space<vmem>>) offsets(%dma_start3A_226 : memref<128xi32, #tpu.memory_space<vmem>>) semaphore(%arg14 : memref<!tpu.dma_semaphore, #tpu.memory_space<semaphore_mem>>)
    %dma_start3A_230 = arith.constant 128 : i32
    %dma_start3A_231 = arith.constant 0 : i32
    %dma_start3A_232 = tpu.memref_slice %arg13[%dma_start3A_230, %dma_start3A_231] : memref<512x128xf32, #tpu.memory_space<vmem>> -> memref<128x128xf32, #tpu.memory_space<vmem>>
    %dma_start3A_233 = arith.constant 640 : i32
    %dma_start3A_234 = tpu.memref_slice %arg11[%dma_start3A_233] : memref<1040xi32, #tpu.memory_space<vmem>> -> memref<128xi32, #tpu.memory_space<vmem>>
    %dma_start3A_235 = arith.constant 0 : i32
    %dma_start3A_236 = arith.constant 0 : i32
    %dma_start3A_237 = tpu.memref_slice %arg4[%dma_start3A_235, %dma_start3A_236] : memref<73728x128xf32, #tpu.memory_space<hbm>> -> memref<73728x128xf32, #tpu.memory_space<hbm>>
    tpu.enqueue_indirect_dma source(%dma_start3A_237 : memref<73728x128xf32, #tpu.memory_space<hbm>>) target(%dma_start3A_232 : memref<128x128xf32, #tpu.memory_space<vmem>>) offsets(%dma_start3A_234 : memref<128xi32, #tpu.memory_space<vmem>>) semaphore(%arg14 : memref<!tpu.dma_semaphore, #tpu.memory_space<semaphore_mem>>)
    %dma_start3A_238 = arith.constant 256 : i32
    %dma_start3A_239 = arith.constant 0 : i32
    %dma_start3A_240 = tpu.memref_slice %arg13[%dma_start3A_238, %dma_start3A_239] : memref<512x128xf32, #tpu.memory_space<vmem>> -> memref<128x128xf32, #tpu.memory_space<vmem>>
    %dma_start3A_241 = arith.constant 768 : i32
    %dma_start3A_242 = tpu.memref_slice %arg11[%dma_start3A_241] : memref<1040xi32, #tpu.memory_space<vmem>> -> memref<128xi32, #tpu.memory_space<vmem>>
    %dma_start3A_243 = arith.constant 0 : i32
    %dma_start3A_244 = arith.constant 0 : i32
    %dma_start3A_245 = tpu.memref_slice %arg4[%dma_start3A_243, %dma_start3A_244] : memref<73728x128xf32, #tpu.memory_space<hbm>> -> memref<73728x128xf32, #tpu.memory_space<hbm>>
    tpu.enqueue_indirect_dma source(%dma_start3A_245 : memref<73728x128xf32, #tpu.memory_space<hbm>>) target(%dma_start3A_240 : memref<128x128xf32, #tpu.memory_space<vmem>>) offsets(%dma_start3A_242 : memref<128xi32, #tpu.memory_space<vmem>>) semaphore(%arg14 : memref<!tpu.dma_semaphore, #tpu.memory_space<semaphore_mem>>)
    %dma_start3A_246 = arith.constant 384 : i32
    %dma_start3A_247 = arith.constant 0 : i32
    %dma_start3A_248 = tpu.memref_slice %arg13[%dma_start3A_246, %dma_start3A_247] : memref<512x128xf32, #tpu.memory_space<vmem>> -> memref<128x128xf32, #tpu.memory_space<vmem>>
    %dma_start3A_249 = arith.constant 896 : i32
    %dma_start3A_250 = tpu.memref_slice %arg11[%dma_start3A_249] : memref<1040xi32, #tpu.memory_space<vmem>> -> memref<128xi32, #tpu.memory_space<vmem>>
    %dma_start3A_251 = arith.constant 0 : i32
    %dma_start3A_252 = arith.constant 0 : i32
    %dma_start3A_253 = tpu.memref_slice %arg4[%dma_start3A_251, %dma_start3A_252] : memref<73728x128xf32, #tpu.memory_space<hbm>> -> memref<73728x128xf32, #tpu.memory_space<hbm>>
    tpu.enqueue_indirect_dma source(%dma_start3A_253 : memref<73728x128xf32, #tpu.memory_space<hbm>>) target(%dma_start3A_248 : memref<128x128xf32, #tpu.memory_space<vmem>>) offsets(%dma_start3A_250 : memref<128xi32, #tpu.memory_space<vmem>>) semaphore(%arg14 : memref<!tpu.dma_semaphore, #tpu.memory_space<semaphore_mem>>)
    %dma_wait3A_254 = arith.constant 0 : i32
    %dma_wait3A_255 = arith.constant 0 : i32
    %dma_wait3A_256 = tpu.memref_slice %arg13[%dma_wait3A_254, %dma_wait3A_255] : memref<512x128xf32, #tpu.memory_space<vmem>> -> memref<128x128xf32, #tpu.memory_space<vmem>>
    %dma_wait3A_257 = arith.constant 512 : i32
    %dma_wait3A_258 = tpu.memref_slice %arg11[%dma_wait3A_257] : memref<1040xi32, #tpu.memory_space<vmem>> -> memref<128xi32, #tpu.memory_space<vmem>>
    %dma_wait3A_259 = arith.constant 0 : i32
    %dma_wait3A_260 = arith.constant 0 : i32
    %dma_wait3A_261 = tpu.memref_slice %arg4[%dma_wait3A_259, %dma_wait3A_260] : memref<73728x128xf32, #tpu.memory_space<hbm>> -> memref<73728x128xf32, #tpu.memory_space<hbm>>
    tpu.wait_indirect_dma semaphore(%arg14 : memref<!tpu.dma_semaphore, #tpu.memory_space<semaphore_mem>>) src(%dma_wait3A_261 : memref<73728x128xf32, #tpu.memory_space<hbm>>) dst(%dma_wait3A_256 : memref<128x128xf32, #tpu.memory_space<vmem>>)
    %dma_wait3A_262 = arith.constant 128 : i32
    %dma_wait3A_263 = arith.constant 0 : i32
    %dma_wait3A_264 = tpu.memref_slice %arg13[%dma_wait3A_262, %dma_wait3A_263] : memref<512x128xf32, #tpu.memory_space<vmem>> -> memref<128x128xf32, #tpu.memory_space<vmem>>
    %dma_wait3A_265 = arith.constant 640 : i32
    %dma_wait3A_266 = tpu.memref_slice %arg11[%dma_wait3A_265] : memref<1040xi32, #tpu.memory_space<vmem>> -> memref<128xi32, #tpu.memory_space<vmem>>
    %dma_wait3A_267 = arith.constant 0 : i32
    %dma_wait3A_268 = arith.constant 0 : i32
    %dma_wait3A_269 = tpu.memref_slice %arg4[%dma_wait3A_267, %dma_wait3A_268] : memref<73728x128xf32, #tpu.memory_space<hbm>> -> memref<73728x128xf32, #tpu.memory_space<hbm>>
    tpu.wait_indirect_dma semaphore(%arg14 : memref<!tpu.dma_semaphore, #tpu.memory_space<semaphore_mem>>) src(%dma_wait3A_269 : memref<73728x128xf32, #tpu.memory_space<hbm>>) dst(%dma_wait3A_264 : memref<128x128xf32, #tpu.memory_space<vmem>>)
    %dma_wait3A_270 = arith.constant 256 : i32
    %dma_wait3A_271 = arith.constant 0 : i32
    %dma_wait3A_272 = tpu.memref_slice %arg13[%dma_wait3A_270, %dma_wait3A_271] : memref<512x128xf32, #tpu.memory_space<vmem>> -> memref<128x128xf32, #tpu.memory_space<vmem>>
    %dma_wait3A_273 = arith.constant 768 : i32
    %dma_wait3A_274 = tpu.memref_slice %arg11[%dma_wait3A_273] : memref<1040xi32, #tpu.memory_space<vmem>> -> memref<128xi32, #tpu.memory_space<vmem>>
    %dma_wait3A_275 = arith.constant 0 : i32
    %dma_wait3A_276 = arith.constant 0 : i32
    %dma_wait3A_277 = tpu.memref_slice %arg4[%dma_wait3A_275, %dma_wait3A_276] : memref<73728x128xf32, #tpu.memory_space<hbm>> -> memref<73728x128xf32, #tpu.memory_space<hbm>>
    tpu.wait_indirect_dma semaphore(%arg14 : memref<!tpu.dma_semaphore, #tpu.memory_space<semaphore_mem>>) src(%dma_wait3A_277 : memref<73728x128xf32, #tpu.memory_space<hbm>>) dst(%dma_wait3A_272 : memref<128x128xf32, #tpu.memory_space<vmem>>)
    %dma_wait3A_278 = arith.constant 384 : i32
    %dma_wait3A_279 = arith.constant 0 : i32
    %dma_wait3A_280 = tpu.memref_slice %arg13[%dma_wait3A_278, %dma_wait3A_279] : memref<512x128xf32, #tpu.memory_space<vmem>> -> memref<128x128xf32, #tpu.memory_space<vmem>>
    %dma_wait3A_281 = arith.constant 896 : i32
    %dma_wait3A_282 = tpu.memref_slice %arg11[%dma_wait3A_281] : memref<1040xi32, #tpu.memory_space<vmem>> -> memref<128xi32, #tpu.memory_space<vmem>>
    %dma_wait3A_283 = arith.constant 0 : i32
    %dma_wait3A_284 = arith.constant 0 : i32
    %dma_wait3A_285 = tpu.memref_slice %arg4[%dma_wait3A_283, %dma_wait3A_284] : memref<73728x128xf32, #tpu.memory_space<hbm>> -> memref<73728x128xf32, #tpu.memory_space<hbm>>
    tpu.wait_indirect_dma semaphore(%arg14 : memref<!tpu.dma_semaphore, #tpu.memory_space<semaphore_mem>>) src(%dma_wait3A_285 : memref<73728x128xf32, #tpu.memory_space<hbm>>) dst(%dma_wait3A_280 : memref<128x128xf32, #tpu.memory_space<vmem>>)
    "tpu.region"() ({
      %run_scoped3A = tpu.sem_alloc : memref<!tpu.dma_semaphore, #tpu.memory_space<semaphore_mem>>
      %dma_start3A_286 = arith.constant 512 : i32
      %dma_start3A_287 = arith.constant 0 : i32
      %dma_start3A_288 = tpu.memref_slice %arg7[%add3A_145, %dma_start3A_286, %dma_start3A_287] : memref<64x1024x128xf32, #tpu.memory_space<hbm>> -> memref<1x512x128xf32, #tpu.memory_space<hbm>>
      %dma_start3A_289 = tpu.memref_squeeze %dma_start3A_288 : memref<1x512x128xf32, #tpu.memory_space<hbm>> -> memref<512x128xf32, #tpu.memory_space<hbm>>
      %dma_start3A_290 = arith.constant 512 : i32
      %dma_start3A_291 = arith.constant 0 : i32
      %dma_start3A_292 = tpu.memref_slice %arg7[%add3A_145, %dma_start3A_290, %dma_start3A_291] : memref<64x1024x128xf32, #tpu.memory_space<hbm>> -> memref<1x512x128xf32, #tpu.memory_space<hbm>>
      %dma_start3A_293 = tpu.memref_squeeze %dma_start3A_292 : memref<1x512x128xf32, #tpu.memory_space<hbm>> -> memref<512x128xf32, #tpu.memory_space<hbm>>
      tpu.enqueue_dma source(%arg13 : memref<512x128xf32, #tpu.memory_space<vmem>>) target(%dma_start3A_293 : memref<512x128xf32, #tpu.memory_space<hbm>>) target_semaphore(%run_scoped3A : memref<!tpu.dma_semaphore, #tpu.memory_space<semaphore_mem>>)
      %dma_wait3A_294 = arith.constant 512 : i32
      %dma_wait3A_295 = arith.constant 0 : i32
      %dma_wait3A_296 = tpu.memref_slice %arg7[%add3A_145, %dma_wait3A_294, %dma_wait3A_295] : memref<64x1024x128xf32, #tpu.memory_space<hbm>> -> memref<1x512x128xf32, #tpu.memory_space<hbm>>
      %dma_wait3A_297 = tpu.memref_squeeze %dma_wait3A_296 : memref<1x512x128xf32, #tpu.memory_space<hbm>> -> memref<512x128xf32, #tpu.memory_space<hbm>>
      %dma_wait3A_298 = arith.constant 512 : i32
      %dma_wait3A_299 = arith.constant 0 : i32
      %dma_wait3A_300 = tpu.memref_slice %arg7[%add3A_145, %dma_wait3A_298, %dma_wait3A_299] : memref<64x1024x128xf32, #tpu.memory_space<hbm>> -> memref<1x512x128xf32, #tpu.memory_space<hbm>>
      %dma_wait3A_301 = tpu.memref_squeeze %dma_wait3A_300 : memref<1x512x128xf32, #tpu.memory_space<hbm>> -> memref<512x128xf32, #tpu.memory_space<hbm>>
      tpu.wait_dma2 semaphore(%run_scoped3A : memref<!tpu.dma_semaphore, #tpu.memory_space<semaphore_mem>>) src(%arg13 : memref<512x128xf32, #tpu.memory_space<vmem>>) dst(%dma_wait3A_301 : memref<512x128xf32, #tpu.memory_space<hbm>>)
      tpu.yield
    }) : () -> ()
    return
  }
}

module attributes {stable_mosaic.version = 14 : i64} {
  func.func @_scores_body(%arg0: i32, %arg1: memref<1x2048x1024xf32, #tpu.memory_space<vmem>>, %arg2: memref<1024x16xf32, #tpu.memory_space<vmem>>, %arg3: memref<1x16xf32, #tpu.memory_space<vmem>>, %arg4: memref<1x2048x1xf32, #tpu.memory_space<vmem>>, %arg5: memref<1x1024x16xf32, #tpu.memory_space<vmem>>, %arg6: memref<1x3072x16xf32, #tpu.memory_space<vmem>>, %arg7: memref<1x3072x16xf32, #tpu.memory_space<vmem>>) attributes {dimension_semantics = [#tpu.dimension_semantics<arbitrary>], iteration_bounds = array<i64: 4>, scalar_prefetch = 0 : i64, scratch_operands = 0 : i64, tpu.core_type = #tpu.core_type<tc>, window_params = [{transform_indices = @transform_0, window_bounds = array<i64: 1, 2048, 1024>}, {pipeline_mode = #tpu.pipeline_mode<synchronous>, transform_indices = @transform_1, window_bounds = array<i64: 1024, 16>}, {pipeline_mode = #tpu.pipeline_mode<synchronous>, transform_indices = @transform_2, window_bounds = array<i64: 1, 16>}, {transform_indices = @transform_3, window_bounds = array<i64: 1, 2048, 1>}, {pipeline_mode = #tpu.pipeline_mode<synchronous>, transform_indices = @transform_4, window_bounds = array<i64: 1, 1024, 16>}, {transform_indices = @transform_5, window_bounds = array<i64: 1, 3072, 16>}, {transform_indices = @transform_6, window_bounds = array<i64: 1, 3072, 16>}]} {
    %get3A = arith.constant 0 : index
    %get3A_0 = arith.constant 0 : index
    %get3A_1 = arith.constant 0 : index
    %get3A_2 = vector.load %arg1[%get3A, %get3A_0, %get3A_1] : memref<1x2048x1024xf32, #tpu.memory_space<vmem>>, vector<1x2048x1024xf32>
    %get3A_3 = vector.shape_cast %get3A_2 : vector<1x2048x1024xf32> to vector<2048x1024xf32>
    %get3A_4 = arith.constant 0 : index
    %get3A_5 = arith.constant 0 : index
    %get3A_6 = vector.load %arg2[%get3A_4, %get3A_5] : memref<1024x16xf32, #tpu.memory_space<vmem>>, vector<1024x16xf32>
    %dot_general3A = arith.constant dense<0.000000e+00> : vector<2048x16xf32>
    %dot_general3A_7 = tpu.matmul %get3A_3, %get3A_6, %dot_general3A {dimension_numbers = #tpu.dot_dimension_numbers<[1], [0], [0], [1], [0, 0, 1, 1], [], []>, transpose_lhs_hint = false} : vector<2048x1024xf32>, vector<1024x16xf32>, vector<2048x16xf32> -> vector<2048x16xf32>
    %get3A_8 = arith.constant 0 : index
    %get3A_9 = arith.constant 0 : index
    %get3A_10 = vector.load %arg3[%get3A_8, %get3A_9] : memref<1x16xf32, #tpu.memory_space<vmem>>, vector<1x16xf32>
    %add3A = vector.broadcast %get3A_10 : vector<1x16xf32> to vector<2048x16xf32>
    %add3A_11 = arith.addf %dot_general3A_7, %add3A : vector<2048x16xf32>
    %get3A_12 = arith.constant 0 : index
    %get3A_13 = arith.constant 0 : index
    %get3A_14 = arith.constant 0 : index
    %get3A_15 = vector.load %arg4[%get3A_12, %get3A_13, %get3A_14] : memref<1x2048x1xf32, #tpu.memory_space<vmem>>, vector<1x2048x1xf32>
    %get3A_16 = vector.shape_cast %get3A_15 : vector<1x2048x1xf32> to vector<2048x1xf32>
    %add3A_17 = vector.broadcast %get3A_16 : vector<2048x1xf32> to vector<2048x16xf32>
    %add3A_18 = arith.addf %add3A_11, %add3A_17 : vector<2048x16xf32>
    %get3A_19 = arith.constant 0 : index
    %get3A_20 = arith.constant 0 : index
    %get3A_21 = arith.constant 0 : index
    %get3A_22 = vector.load %arg6[%get3A_19, %get3A_20, %get3A_21] : memref<1x3072x16xf32, #tpu.memory_space<vmem>>, vector<1x2048x16xf32>
    %get3A_23 = vector.shape_cast %get3A_22 : vector<1x2048x16xf32> to vector<2048x16xf32>
    %sub3A = arith.subf %add3A_18, %get3A_23 : vector<2048x16xf32>
    %swap3A = arith.constant 0 : index
    %swap3A_24 = arith.constant 0 : index
    %swap3A_25 = arith.constant 0 : index
    %swap3A_26 = vector.load %arg7[%swap3A, %swap3A_24, %swap3A_25] : memref<1x3072x16xf32, #tpu.memory_space<vmem>>, vector<1x2048x16xf32>
    %swap3A_27 = vector.shape_cast %swap3A_26 : vector<1x2048x16xf32> to vector<2048x16xf32>
    %swap3A_28 = vector.shape_cast %sub3A : vector<2048x16xf32> to vector<1x2048x16xf32>
    tpu.vector_store %arg7[%swap3A, %swap3A_24, %swap3A_25], %swap3A_28 {strides = array<i32>} : memref<1x3072x16xf32, #tpu.memory_space<vmem>>, vector<1x2048x16xf32>,
    %get3A_29 = arith.constant 0 : index
    %get3A_30 = arith.constant 0 : index
    %get3A_31 = arith.constant 0 : index
    %get3A_32 = vector.load %arg5[%get3A_29, %get3A_30, %get3A_31] : memref<1x1024x16xf32, #tpu.memory_space<vmem>>, vector<1x1024x16xf32>
    %get3A_33 = vector.shape_cast %get3A_32 : vector<1x1024x16xf32> to vector<1024x16xf32>
    %get3A_34 = arith.constant 0 : index
    %get3A_35 = arith.constant 2048 : index
    %get3A_36 = arith.constant 0 : index
    %get3A_37 = vector.load %arg6[%get3A_34, %get3A_35, %get3A_36] : memref<1x3072x16xf32, #tpu.memory_space<vmem>>, vector<1x1024x16xf32>
    %get3A_38 = vector.shape_cast %get3A_37 : vector<1x1024x16xf32> to vector<1024x16xf32>
    %sub3A_39 = arith.subf %get3A_33, %get3A_38 : vector<1024x16xf32>
    %swap3A_40 = arith.constant 0 : index
    %swap3A_41 = arith.constant 2048 : index
    %swap3A_42 = arith.constant 0 : index
    %swap3A_43 = vector.load %arg7[%swap3A_40, %swap3A_41, %swap3A_42] : memref<1x3072x16xf32, #tpu.memory_space<vmem>>, vector<1x1024x16xf32>
    %swap3A_44 = vector.shape_cast %swap3A_43 : vector<1x1024x16xf32> to vector<1024x16xf32>
    %swap3A_45 = vector.shape_cast %sub3A_39 : vector<1024x16xf32> to vector<1x1024x16xf32>
    tpu.vector_store %arg7[%swap3A_40, %swap3A_41, %swap3A_42], %swap3A_45 {strides = array<i32>} : memref<1x3072x16xf32, #tpu.memory_space<vmem>>, vector<1x1024x16xf32>,
    return
  }
  func.func @transform_0(%arg0: i32) -> (i32, i32, i32) {
    %c0_i32 = arith.constant 0 : i32
    %c0_i32_0 = arith.constant 0 : i32
    %c0_i32_1 = arith.constant 0 : i32
    return %arg0, %c0_i32, %c0_i32_0 : i32, i32, i32
  }
  func.func @transform_1(%arg0: i32) -> (i32, i32) {
    %c0_i32 = arith.constant 0 : i32
    %c0_i32_0 = arith.constant 0 : i32
    %c0_i32_1 = arith.constant 0 : i32
    return %c0_i32, %c0_i32_0 : i32, i32
  }
  func.func @transform_2(%arg0: i32) -> (i32, i32) {
    %c0_i32 = arith.constant 0 : i32
    %c0_i32_0 = arith.constant 0 : i32
    %c0_i32_1 = arith.constant 0 : i32
    return %c0_i32, %c0_i32_0 : i32, i32
  }
  func.func @transform_3(%arg0: i32) -> (i32, i32, i32) {
    %c0_i32 = arith.constant 0 : i32
    %c0_i32_0 = arith.constant 0 : i32
    %c0_i32_1 = arith.constant 0 : i32
    return %arg0, %c0_i32, %c0_i32_0 : i32, i32, i32
  }
  func.func @transform_4(%arg0: i32) -> (i32, i32, i32) {
    %c0_i32 = arith.constant 0 : i32
    %c0_i32_0 = arith.constant 0 : i32
    %c0_i32_1 = arith.constant 0 : i32
    %c0_i32_2 = arith.constant 0 : i32
    return %c0_i32, %c0_i32_0, %c0_i32_1 : i32, i32, i32
  }
  func.func @transform_5(%arg0: i32) -> (i32, i32, i32) {
    %c0_i32 = arith.constant 0 : i32
    %c0_i32_0 = arith.constant 0 : i32
    %c0_i32_1 = arith.constant 0 : i32
    return %arg0, %c0_i32, %c0_i32_0 : i32, i32, i32
  }
  func.func @transform_6(%arg0: i32) -> (i32, i32, i32) {
    %c0_i32 = arith.constant 0 : i32
    %c0_i32_0 = arith.constant 0 : i32
    %c0_i32_1 = arith.constant 0 : i32
    return %arg0, %c0_i32, %c0_i32_0 : i32, i32, i32
  }
}

module attributes {stable_mosaic.version = 14 : i64} {
  func.func @_plan_body(%arg0: memref<64x3072xf32, #tpu.memory_space<vmem>>, %arg1: memref<64x3072xi32, #tpu.memory_space<vmem>>) attributes {dimension_semantics = [], scalar_prefetch = 0 : i64, scratch_operands = 0 : i64, tpu.core_type = #tpu.core_type<tc>} {
    %get3A = arith.constant 0 : index
    %get3A_0 = arith.constant 0 : index
    %get3A_1 = vector.load %arg0[%get3A, %get3A_0] : memref<64x3072xf32, #tpu.memory_space<vmem>>, vector<64x3072xf32>
    %bitcast_convert_type3A = tpu.bitcast %get3A_1 : vector<64x3072xf32> -> vector<64x3072xi32>
    %shift_right_arithmetic3A = arith.constant 31 : i32
    %shift_right_arithmetic3A_2 = vector.broadcast %shift_right_arithmetic3A : i32 to vector<64x3072xi32>
    %shift_right_arithmetic3A_3 = arith.shrsi %bitcast_convert_type3A, %shift_right_arithmetic3A_2 : vector<64x3072xi32>
    %and3A = arith.constant 2147483647 : i32
    %and3A_4 = vector.broadcast %and3A : i32 to vector<64x3072xi32>
    %and3A_5 = arith.andi %shift_right_arithmetic3A_3, %and3A_4 : vector<64x3072xi32>
    %xor3A = arith.xori %bitcast_convert_type3A, %and3A_5 : vector<64x3072xi32>
    %broadcast_in_dim3A = arith.constant -2147483648 : i32
    %broadcast_in_dim3A_6 = vector.broadcast %broadcast_in_dim3A : i32 to vector<64x1xi32>
    %broadcast_in_dim3A_7 = arith.constant 2147483647 : i32
    %broadcast_in_dim3A_8 = vector.broadcast %broadcast_in_dim3A_7 : i32 to vector<64x1xi32>
    %scan3A = arith.constant 0 : i32
    %scan3A_9 = arith.constant 32 : i32
    %scan3A_10 = arith.addi %scan3A, %scan3A_9 : i32
    %scan3A_11 = arith.constant 1 : i32
    %scan3A_12:4 = scf.for %scan3A_146 = %scan3A to %scan3A_10 step %scan3A_11 iter_args(%scan3A_147 = %broadcast_in_dim3A_6, %scan3A_148 = %broadcast_in_dim3A_8, %scan3A_149 = %broadcast_in_dim3A_6, %scan3A_150 = %broadcast_in_dim3A_8) -> (vector<64x1xi32>, vector<64x1xi32>, vector<64x1xi32>, vector<64x1xi32>)  : i32 {
      %shift_right_arithmetic3A_151 = arith.constant 1 : i32
      %shift_right_arithmetic3A_152 = vector.broadcast %shift_right_arithmetic3A_151 : i32 to vector<64x1xi32>
      %shift_right_arithmetic3A_153 = arith.shrsi %scan3A_147, %shift_right_arithmetic3A_152 : vector<64x1xi32>
      %shift_right_arithmetic3A_154 = arith.constant 1 : i32
      %shift_right_arithmetic3A_155 = vector.broadcast %shift_right_arithmetic3A_154 : i32 to vector<64x1xi32>
      %shift_right_arithmetic3A_156 = arith.shrsi %scan3A_148, %shift_right_arithmetic3A_155 : vector<64x1xi32>
      %add3A_157 = arith.addi %shift_right_arithmetic3A_153, %shift_right_arithmetic3A_156 : vector<64x1xi32>
      %and3A_158 = arith.andi %scan3A_147, %scan3A_148 : vector<64x1xi32>
      %and3A_159 = arith.constant 1 : i32
      %and3A_160 = vector.broadcast %and3A_159 : i32 to vector<64x1xi32>
      %and3A_161 = arith.andi %and3A_158, %and3A_160 : vector<64x1xi32>
      %add3A_162 = arith.addi %add3A_157, %and3A_161 : vector<64x1xi32>
      %ge3A = vector.broadcast %add3A_162 : vector<64x1xi32> to vector<64x3072xi32>
      %ge3A_163 = arith.cmpi sge, %xor3A, %ge3A : vector<64x3072xi32>
      %convert_element_type3A_164 = arith.extui %ge3A_163 : vector<64x3072xi1> to vector<64x3072xi32>
      %reduce_sum3A_165 = arith.constant dense<0> : vector<64xi32>
      %reduce_sum3A_166 = vector.multi_reduction <add>, %convert_element_type3A_164, %reduce_sum3A_165 [1] : vector<64x3072xi32> to vector<64xi32>
      %broadcast_in_dim3A_167 = vector.shape_cast %reduce_sum3A_166 : vector<64xi32> to vector<64x1xi32>
      %ge3A_168 = arith.constant 512 : i32
      %ge3A_169 = vector.broadcast %ge3A_168 : i32 to vector<64x1xi32>
      %ge3A_170 = arith.cmpi sge, %broadcast_in_dim3A_167, %ge3A_169 : vector<64x1xi32>
      %select_n3A_171 = arith.select %ge3A_170, %add3A_162, %scan3A_147 : vector<64x1xi1>, vector<64x1xi32>
      %select_n3A_172 = arith.select %ge3A_170, %scan3A_148, %add3A_162 : vector<64x1xi1>, vector<64x1xi32>
      %shift_right_arithmetic3A_173 = arith.constant 1 : i32
      %shift_right_arithmetic3A_174 = vector.broadcast %shift_right_arithmetic3A_173 : i32 to vector<64x1xi32>
      %shift_right_arithmetic3A_175 = arith.shrsi %scan3A_149, %shift_right_arithmetic3A_174 : vector<64x1xi32>
      %shift_right_arithmetic3A_176 = arith.constant 1 : i32
      %shift_right_arithmetic3A_177 = vector.broadcast %shift_right_arithmetic3A_176 : i32 to vector<64x1xi32>
      %shift_right_arithmetic3A_178 = arith.shrsi %scan3A_150, %shift_right_arithmetic3A_177 : vector<64x1xi32>
      %add3A_179 = arith.addi %shift_right_arithmetic3A_175, %shift_right_arithmetic3A_178 : vector<64x1xi32>
      %and3A_180 = arith.andi %scan3A_149, %scan3A_150 : vector<64x1xi32>
      %and3A_181 = arith.constant 1 : i32
      %and3A_182 = vector.broadcast %and3A_181 : i32 to vector<64x1xi32>
      %and3A_183 = arith.andi %and3A_180, %and3A_182 : vector<64x1xi32>
      %add3A_184 = arith.addi %add3A_179, %and3A_183 : vector<64x1xi32>
      %ge3A_185 = vector.broadcast %add3A_184 : vector<64x1xi32> to vector<64x3072xi32>
      %ge3A_186 = arith.cmpi sge, %xor3A, %ge3A_185 : vector<64x3072xi32>
      %convert_element_type3A_187 = arith.extui %ge3A_186 : vector<64x3072xi1> to vector<64x3072xi32>
      %reduce_sum3A_188 = arith.constant dense<0> : vector<64xi32>
      %reduce_sum3A_189 = vector.multi_reduction <add>, %convert_element_type3A_187, %reduce_sum3A_188 [1] : vector<64x3072xi32> to vector<64xi32>
      %broadcast_in_dim3A_190 = vector.shape_cast %reduce_sum3A_189 : vector<64xi32> to vector<64x1xi32>
      %ge3A_191 = arith.constant 1024 : i32
      %ge3A_192 = vector.broadcast %ge3A_191 : i32 to vector<64x1xi32>
      %ge3A_193 = arith.cmpi sge, %broadcast_in_dim3A_190, %ge3A_192 : vector<64x1xi32>
      %select_n3A_194 = arith.select %ge3A_193, %add3A_184, %scan3A_149 : vector<64x1xi1>, vector<64x1xi32>
      %select_n3A_195 = arith.select %ge3A_193, %scan3A_150, %add3A_184 : vector<64x1xi1>, vector<64x1xi32>
      scf.yield %select_n3A_171, %select_n3A_172, %select_n3A_194, %select_n3A_195 : vector<64x1xi32>, vector<64x1xi32>, vector<64x1xi32>, vector<64x1xi32>
    }
    %gt3A = vector.broadcast %scan3A_12#0 : vector<64x1xi32> to vector<64x3072xi32>
    %gt3A_13 = arith.cmpi sgt, %xor3A, %gt3A : vector<64x3072xi32>
    %gt3A_14 = vector.broadcast %scan3A_12#2 : vector<64x1xi32> to vector<64x3072xi32>
    %gt3A_15 = arith.cmpi sgt, %xor3A, %gt3A_14 : vector<64x3072xi32>
    %eq3A = vector.broadcast %scan3A_12#0 : vector<64x1xi32> to vector<64x3072xi32>
    %eq3A_16 = arith.cmpi eq, %xor3A, %eq3A : vector<64x3072xi32>
    %eq3A_17 = vector.broadcast %scan3A_12#2 : vector<64x1xi32> to vector<64x3072xi32>
    %eq3A_18 = arith.cmpi eq, %xor3A, %eq3A_17 : vector<64x3072xi32>
    %convert_element_type3A = arith.extui %gt3A_13 : vector<64x3072xi1> to vector<64x3072xi32>
    %reduce_sum3A = arith.constant dense<0> : vector<64xi32>
    %reduce_sum3A_19 = vector.multi_reduction <add>, %convert_element_type3A, %reduce_sum3A [1] : vector<64x3072xi32> to vector<64xi32>
    %broadcast_in_dim3A_20 = vector.shape_cast %reduce_sum3A_19 : vector<64xi32> to vector<64x1xi32>
    %convert_element_type3A_21 = arith.extui %gt3A_15 : vector<64x3072xi1> to vector<64x3072xi32>
    %reduce_sum3A_22 = arith.constant dense<0> : vector<64xi32>
    %reduce_sum3A_23 = vector.multi_reduction <add>, %convert_element_type3A_21, %reduce_sum3A_22 [1] : vector<64x3072xi32> to vector<64xi32>
    %broadcast_in_dim3A_24 = vector.shape_cast %reduce_sum3A_23 : vector<64xi32> to vector<64x1xi32>
    %sub3A = arith.constant 512 : i32
    %sub3A_25 = vector.broadcast %sub3A : i32 to vector<64x1xi32>
    %sub3A_26 = arith.subi %sub3A_25, %broadcast_in_dim3A_20 : vector<64x1xi32>
    %sub3A_27 = arith.constant 1024 : i32
    %sub3A_28 = vector.broadcast %sub3A_27 : i32 to vector<64x1xi32>
    %sub3A_29 = arith.subi %sub3A_28, %broadcast_in_dim3A_24 : vector<64x1xi32>
    %concatenate3A = tpu.concatenate %eq3A_16, %eq3A_18 in 0 : vector<64x3072xi1>, vector<64x3072xi1> -> vector<128x3072xi1>
    %convert_element_type3A_30 = arith.extui %concatenate3A : vector<128x3072xi1> to vector<128x3072xi32>
    %convert_element_type3A_31 = arith.sitofp %convert_element_type3A_30 : vector<128x3072xi32> to vector<128x3072xf32>
    %reshape3A = vector.shape_cast %convert_element_type3A_31 : vector<128x3072xf32> to vector<3072x128xf32>
    %iota3A = tpu.iota {dimensions = array<i32: 0>} : vector<128x128xi32>
    %iota3A_32 = tpu.iota {dimensions = array<i32: 1>} : vector<128x128xi32>
    %le3A = arith.cmpi sle, %iota3A, %iota3A_32 : vector<128x128xi32>
    %convert_element_type3A_33 = arith.extui %le3A : vector<128x128xi1> to vector<128x128xi32>
    %convert_element_type3A_34 = arith.sitofp %convert_element_type3A_33 : vector<128x128xi32> to vector<128x128xf32>
    %dot_general3A = arith.constant dense<0.000000e+00> : vector<3072x128xf32>
    %dot_general3A_35 = tpu.matmul %reshape3A, %convert_element_type3A_34, %dot_general3A {dimension_numbers = #tpu.dot_dimension_numbers<[1], [0], [0], [1], [0, 0, 1, 1], [], []>, transpose_lhs_hint = false} : vector<3072x128xf32>, vector<128x128xf32>, vector<3072x128xf32> -> vector<3072x128xf32>
    %reshape3A_36 = vector.shape_cast %dot_general3A_35 : vector<3072x128xf32> to vector<128x24x128xf32>
    %slice3A = vector.extract_strided_slice %reshape3A_36 {offsets = [0, 0, 127], sizes = [128, 24, 1], strides = [1, 1, 1]} : vector<128x24x128xf32> to vector<128x24x1xf32>
    %squeeze3A = vector.shape_cast %slice3A : vector<128x24x1xf32> to vector<128x24xf32>
    %iota3A_37 = tpu.iota {dimensions = array<i32: 0>} : vector<24x24xi32>
    %iota3A_38 = tpu.iota {dimensions = array<i32: 1>} : vector<24x24xi32>
    %lt3A = arith.cmpi slt, %iota3A_37, %iota3A_38 : vector<24x24xi32>
    %convert_element_type3A_39 = arith.extui %lt3A : vector<24x24xi1> to vector<24x24xi32>
    %convert_element_type3A_40 = arith.sitofp %convert_element_type3A_39 : vector<24x24xi32> to vector<24x24xf32>
    %dot_general3A_41 = arith.constant dense<0.000000e+00> : vector<128x24xf32>
    %dot_general3A_42 = tpu.matmul %squeeze3A, %convert_element_type3A_40, %dot_general3A_41 {dimension_numbers = #tpu.dot_dimension_numbers<[1], [0], [0], [1], [0, 0, 1, 1], [], []>, transpose_lhs_hint = false} : vector<128x24xf32>, vector<24x24xf32>, vector<128x24xf32> -> vector<128x24xf32>
    %broadcast_in_dim3A_43 = vector.shape_cast %dot_general3A_42 : vector<128x24xf32> to vector<128x24x1xf32>
    %add3A = vector.broadcast %broadcast_in_dim3A_43 : vector<128x24x1xf32> to vector<128x24x128xf32>
    %add3A_44 = arith.addf %reshape3A_36, %add3A : vector<128x24x128xf32>
    %reshape3A_45 = vector.shape_cast %add3A_44 : vector<128x24x128xf32> to vector<128x3072xf32>
    %convert_element_type3A_46 = arith.fptosi %reshape3A_45 : vector<128x3072xf32> to vector<128x3072xi32>
    %slice3A_47 = vector.extract_strided_slice %convert_element_type3A_46 {offsets = [0, 0], sizes = [64, 3072], strides = [1, 1]} : vector<128x3072xi32> to vector<64x3072xi32>
    %convert_element_type3A_48 = arith.extui %eq3A_16 : vector<64x3072xi1> to vector<64x3072xi32>
    %sub3A_49 = arith.subi %slice3A_47, %convert_element_type3A_48 : vector<64x3072xi32>
    %slice3A_50 = vector.extract_strided_slice %convert_element_type3A_46 {offsets = [64, 0], sizes = [64, 3072], strides = [1, 1]} : vector<128x3072xi32> to vector<64x3072xi32>
    %convert_element_type3A_51 = arith.extui %eq3A_18 : vector<64x3072xi1> to vector<64x3072xi32>
    %sub3A_52 = arith.subi %slice3A_50, %convert_element_type3A_51 : vector<64x3072xi32>
    %lt3A_53 = vector.broadcast %sub3A_26 : vector<64x1xi32> to vector<64x3072xi32>
    %lt3A_54 = arith.cmpi slt, %sub3A_49, %lt3A_53 : vector<64x3072xi32>
    %and3A_55 = arith.andi %eq3A_16, %lt3A_54 : vector<64x3072xi1>
    %or3A = arith.ori %gt3A_13, %and3A_55 : vector<64x3072xi1>
    %lt3A_56 = vector.broadcast %sub3A_29 : vector<64x1xi32> to vector<64x3072xi32>
    %lt3A_57 = arith.cmpi slt, %sub3A_52, %lt3A_56 : vector<64x3072xi32>
    %and3A_58 = arith.andi %eq3A_18, %lt3A_57 : vector<64x3072xi1>
    %or3A_59 = arith.ori %gt3A_15, %and3A_58 : vector<64x3072xi1>
    %not3A = arith.constant dense<true> : vector<64x3072xi1>
    %not3A_60 = arith.xori %or3A, %not3A : vector<64x3072xi1>
    %and3A_61 = arith.andi %or3A_59, %not3A_60 : vector<64x3072xi1>
    %concatenate3A_62 = tpu.concatenate %or3A, %and3A_61 in 0 : vector<64x3072xi1>, vector<64x3072xi1> -> vector<128x3072xi1>
    %convert_element_type3A_63 = arith.extui %concatenate3A_62 : vector<128x3072xi1> to vector<128x3072xi32>
    %convert_element_type3A_64 = arith.sitofp %convert_element_type3A_63 : vector<128x3072xi32> to vector<128x3072xf32>
    %reshape3A_65 = vector.shape_cast %convert_element_type3A_64 : vector<128x3072xf32> to vector<3072x128xf32>
    %iota3A_66 = tpu.iota {dimensions = array<i32: 0>} : vector<128x128xi32>
    %iota3A_67 = tpu.iota {dimensions = array<i32: 1>} : vector<128x128xi32>
    %le3A_68 = arith.cmpi sle, %iota3A_66, %iota3A_67 : vector<128x128xi32>
    %convert_element_type3A_69 = arith.extui %le3A_68 : vector<128x128xi1> to vector<128x128xi32>
    %convert_element_type3A_70 = arith.sitofp %convert_element_type3A_69 : vector<128x128xi32> to vector<128x128xf32>
    %dot_general3A_71 = arith.constant dense<0.000000e+00> : vector<3072x128xf32>
    %dot_general3A_72 = tpu.matmul %reshape3A_65, %convert_element_type3A_70, %dot_general3A_71 {dimension_numbers = #tpu.dot_dimension_numbers<[1], [0], [0], [1], [0, 0, 1, 1], [], []>, transpose_lhs_hint = false} : vector<3072x128xf32>, vector<128x128xf32>, vector<3072x128xf32> -> vector<3072x128xf32>
    %reshape3A_73 = vector.shape_cast %dot_general3A_72 : vector<3072x128xf32> to vector<128x24x128xf32>
    %slice3A_74 = vector.extract_strided_slice %reshape3A_73 {offsets = [0, 0, 127], sizes = [128, 24, 1], strides = [1, 1, 1]} : vector<128x24x128xf32> to vector<128x24x1xf32>
    %squeeze3A_75 = vector.shape_cast %slice3A_74 : vector<128x24x1xf32> to vector<128x24xf32>
    %iota3A_76 = tpu.iota {dimensions = array<i32: 0>} : vector<24x24xi32>
    %iota3A_77 = tpu.iota {dimensions = array<i32: 1>} : vector<24x24xi32>
    %lt3A_78 = arith.cmpi slt, %iota3A_76, %iota3A_77 : vector<24x24xi32>
    %convert_element_type3A_79 = arith.extui %lt3A_78 : vector<24x24xi1> to vector<24x24xi32>
    %convert_element_type3A_80 = arith.sitofp %convert_element_type3A_79 : vector<24x24xi32> to vector<24x24xf32>
    %dot_general3A_81 = arith.constant dense<0.000000e+00> : vector<128x24xf32>
    %dot_general3A_82 = tpu.matmul %squeeze3A_75, %convert_element_type3A_80, %dot_general3A_81 {dimension_numbers = #tpu.dot_dimension_numbers<[1], [0], [0], [1], [0, 0, 1, 1], [], []>, transpose_lhs_hint = false} : vector<128x24xf32>, vector<24x24xf32>, vector<128x24xf32> -> vector<128x24xf32>
    %broadcast_in_dim3A_83 = vector.shape_cast %dot_general3A_82 : vector<128x24xf32> to vector<128x24x1xf32>
    %add3A_84 = vector.broadcast %broadcast_in_dim3A_83 : vector<128x24x1xf32> to vector<128x24x128xf32>
    %add3A_85 = arith.addf %reshape3A_73, %add3A_84 : vector<128x24x128xf32>
    %reshape3A_86 = vector.shape_cast %add3A_85 : vector<128x24x128xf32> to vector<128x3072xf32>
    %convert_element_type3A_87 = arith.fptosi %reshape3A_86 : vector<128x3072xf32> to vector<128x3072xi32>
    %slice3A_88 = vector.extract_strided_slice %convert_element_type3A_87 {offsets = [0, 0], sizes = [64, 3072], strides = [1, 1]} : vector<128x3072xi32> to vector<64x3072xi32>
    %sub3A_89 = arith.constant 1 : i32
    %sub3A_90 = vector.broadcast %sub3A_89 : i32 to vector<64x3072xi32>
    %sub3A_91 = arith.subi %slice3A_88, %sub3A_90 : vector<64x3072xi32>
    %slice3A_92 = vector.extract_strided_slice %convert_element_type3A_87 {offsets = [64, 0], sizes = [64, 3072], strides = [1, 1]} : vector<128x3072xi32> to vector<64x3072xi32>
    %add3A_93 = arith.constant 512 : i32
    %add3A_94 = vector.broadcast %add3A_93 : i32 to vector<64x3072xi32>
    %add3A_95 = arith.addi %add3A_94, %slice3A_92 : vector<64x3072xi32>
    %sub3A_96 = arith.constant 1 : i32
    %sub3A_97 = vector.broadcast %sub3A_96 : i32 to vector<64x3072xi32>
    %sub3A_98 = arith.subi %add3A_95, %sub3A_97 : vector<64x3072xi32>
    %jit3A = arith.constant 1024 : i32
    %broadcast_in_dim3A_99 = vector.broadcast %jit3A : i32 to vector<64x3072xi32>
    %select_n3A = arith.select %and3A_61, %sub3A_98, %broadcast_in_dim3A_99 : vector<64x3072xi1>, vector<64x3072xi32>
    %select_n3A_100 = arith.select %or3A, %sub3A_91, %select_n3A : vector<64x3072xi1>, vector<64x3072xi32>
    %iota3A_101 = tpu.iota {dimensions = array<i32: 0>} : vector<64x3072xi32>
    %iota3A_102 = tpu.iota {dimensions = array<i32: 1>} : vector<64x3072xi32>
    %jit3A_103 = arith.constant 16 : i32
    %eq3A_104 = arith.constant 0 : i32
    %eq3A_105 = arith.cmpi eq, %jit3A_103, %eq3A_104 : i32
    %jit3A_106 = arith.constant 1 : i32
    %select_n3A_107 = arith.select %eq3A_105, %jit3A_106, %jit3A_103 : i32
    %rem3A = vector.broadcast %select_n3A_107 : i32 to vector<64x3072xi32>
    %rem3A_108 = arith.remsi %iota3A_101, %rem3A : vector<64x3072xi32>
    %ne3A = arith.constant 0 : i32
    %ne3A_109 = vector.broadcast %ne3A : i32 to vector<64x3072xi32>
    %ne3A_110 = arith.cmpi ne, %rem3A_108, %ne3A_109 : vector<64x3072xi32>
    %lt3A_111 = arith.constant 0 : i32
    %lt3A_112 = vector.broadcast %lt3A_111 : i32 to vector<64x3072xi32>
    %lt3A_113 = arith.cmpi slt, %rem3A_108, %lt3A_112 : vector<64x3072xi32>
    %lt3A_114 = arith.constant 0 : i32
    %lt3A_115 = arith.cmpi slt, %select_n3A_107, %lt3A_114 : i32
    %ne3A_116 = vector.broadcast %lt3A_115 : i1 to vector<64x3072xi1>
    %ne3A_117 = vector.broadcast %ne3A_116 : vector<64x3072xi1> to vector<64x3072xi1>
    %ne3A_118 = arith.xori %lt3A_113, %ne3A_117 : vector<64x3072xi1>
    %and3A_119 = arith.andi %ne3A_118, %ne3A_110 : vector<64x3072xi1>
    %add3A_120 = vector.broadcast %select_n3A_107 : i32 to vector<64x3072xi32>
    %add3A_121 = arith.addi %rem3A_108, %add3A_120 : vector<64x3072xi32>
    %select_n3A_122 = arith.select %and3A_119, %add3A_121, %rem3A_108 : vector<64x3072xi1>, vector<64x3072xi32>
    %lt3A_123 = arith.constant 2048 : i32
    %lt3A_124 = vector.broadcast %lt3A_123 : i32 to vector<64x3072xi32>
    %lt3A_125 = arith.cmpi slt, %iota3A_102, %lt3A_124 : vector<64x3072xi32>
    %mul3A = arith.constant 2048 : i32
    %mul3A_126 = vector.broadcast %mul3A : i32 to vector<64x3072xi32>
    %mul3A_127 = arith.muli %iota3A_101, %mul3A_126 : vector<64x3072xi32>
    %add3A_128 = arith.addi %mul3A_127, %iota3A_102 : vector<64x3072xi32>
    %mul3A_129 = arith.constant 1024 : i32
    %mul3A_130 = vector.broadcast %mul3A_129 : i32 to vector<64x3072xi32>
    %mul3A_131 = arith.muli %select_n3A_122, %mul3A_130 : vector<64x3072xi32>
    %add3A_132 = arith.constant 131072 : i32
    %add3A_133 = vector.broadcast %add3A_132 : i32 to vector<64x3072xi32>
    %add3A_134 = arith.addi %add3A_133, %mul3A_131 : vector<64x3072xi32>
    %sub3A_135 = arith.constant 2048 : i32
    %sub3A_136 = vector.broadcast %sub3A_135 : i32 to vector<64x3072xi32>
    %sub3A_137 = arith.subi %iota3A_102, %sub3A_136 : vector<64x3072xi32>
    %add3A_138 = arith.addi %add3A_134, %sub3A_137 : vector<64x3072xi32>
    %select_n3A_139 = arith.select %lt3A_125, %add3A_128, %add3A_138 : vector<64x3072xi1>, vector<64x3072xi32>
    %mul3A_140 = arith.constant 262144 : i32
    %mul3A_141 = vector.broadcast %mul3A_140 : i32 to vector<64x3072xi32>
    %mul3A_142 = arith.muli %select_n3A_100, %mul3A_141 : vector<64x3072xi32>
    %add3A_143 = arith.addi %mul3A_142, %select_n3A_139 : vector<64x3072xi32>
    %swap3A = arith.constant 0 : index
    %swap3A_144 = arith.constant 0 : index
    %swap3A_145 = vector.load %arg1[%swap3A, %swap3A_144] : memref<64x3072xi32, #tpu.memory_space<vmem>>, vector<64x3072xi32>
    tpu.vector_store %arg1[%swap3A, %swap3A_144], %add3A_143 {strides = array<i32>} : memref<64x3072xi32, #tpu.memory_space<vmem>>, vector<64x3072xi32>,
    return
  }
}

module attributes {stable_mosaic.version = 14 : i64} {
  func.func @_blend_body(%arg0: i32, %arg1: memref<1x1x1024xf32, #tpu.memory_space<vmem>>, %arg2: memref<1x512x1xf32, #tpu.memory_space<vmem>>, %arg3: memref<1x1024x1xi32, #tpu.memory_space<vmem>>, %arg4: memref<1x1024x128xf32, #tpu.memory_space<vmem>>, %arg5: memref<1x1x128xf32, #tpu.memory_space<vmem>>, %arg6: memref<1x1x512x64xf32, #tpu.memory_space<vmem>>) attributes {dimension_semantics = [#tpu.dimension_semantics<arbitrary>], iteration_bounds = array<i64: 64>, scalar_prefetch = 0 : i64, scratch_operands = 0 : i64, tpu.core_type = #tpu.core_type<tc>, window_params = [{transform_indices = @transform_0, window_bounds = array<i64: 1, 1, 1024>}, {transform_indices = @transform_1, window_bounds = array<i64: 1, 512, 1>}, {transform_indices = @transform_2, window_bounds = array<i64: 1, 1024, 1>}, {transform_indices = @transform_3, window_bounds = array<i64: 1, 1024, 128>}, {transform_indices = @transform_4, window_bounds = array<i64: 1, 1, 128>}, {transform_indices = @transform_5, window_bounds = array<i64: 1, 1, 512, 64>}]} {
    %get3A = arith.constant 0 : index
    %get3A_0 = arith.constant 0 : index
    %get3A_1 = arith.constant 0 : index
    %get3A_2 = vector.load %arg1[%get3A, %get3A_0, %get3A_1] : memref<1x1x1024xf32, #tpu.memory_space<vmem>>, vector<1x1x512xf32>
    %get3A_3 = vector.shape_cast %get3A_2 : vector<1x1x512xf32> to vector<1x512xf32>
    %get3A_4 = arith.constant 0 : index
    %get3A_5 = arith.constant 0 : index
    %get3A_6 = arith.constant 512 : index
    %get3A_7 = vector.load %arg1[%get3A_4, %get3A_5, %get3A_6] : memref<1x1x1024xf32, #tpu.memory_space<vmem>>, vector<1x1x512xf32>
    %get3A_8 = vector.shape_cast %get3A_7 : vector<1x1x512xf32> to vector<1x512xf32>
    %get3A_9 = arith.constant 0 : index
    %get3A_10 = arith.constant 0 : index
    %get3A_11 = arith.constant 0 : index
    %get3A_12 = vector.load %arg2[%get3A_9, %get3A_10, %get3A_11] : memref<1x512x1xf32, #tpu.memory_space<vmem>>, vector<1x512x1xf32>
    %get3A_13 = vector.shape_cast %get3A_12 : vector<1x512x1xf32> to vector<512x1xf32>
    %get3A_14 = arith.constant 0 : index
    %get3A_15 = arith.constant 0 : index
    %get3A_16 = arith.constant 0 : index
    %get3A_17 = vector.load %arg3[%get3A_14, %get3A_15, %get3A_16] : memref<1x1024x1xi32, #tpu.memory_space<vmem>>, vector<1x1024x1xi32>
    %get3A_18 = vector.shape_cast %get3A_17 : vector<1x1024x1xi32> to vector<1024x1xi32>
    %and3A = arith.constant 1 : i32
    %and3A_19 = vector.broadcast %and3A : i32 to vector<1024x1xi32>
    %and3A_20 = arith.andi %get3A_18, %and3A_19 : vector<1024x1xi32>
    %get3A_21 = arith.constant 0 : index
    %get3A_22 = arith.constant 0 : index
    %get3A_23 = arith.constant 0 : index
    %get3A_24 = vector.load %arg5[%get3A_21, %get3A_22, %get3A_23] : memref<1x1x128xf32, #tpu.memory_space<vmem>>, vector<1x1x1xf32>
    %get3A_25 = vector.shape_cast %get3A_24 : vector<1x1x1xf32> to vector<1x1xf32>
    %get3A_26 = arith.constant 0 : index
    %get3A_27 = arith.constant 0 : index
    %get3A_28 = arith.constant 0 : index
    %get3A_29 = vector.load %arg4[%get3A_26, %get3A_27, %get3A_28] : memref<1x1024x128xf32, #tpu.memory_space<vmem>>, vector<1x1024x128xf32>
    %get3A_30 = vector.shape_cast %get3A_29 : vector<1x1024x128xf32> to vector<1024x128xf32>
    %eq3A = arith.constant 1 : i32
    %eq3A_31 = vector.broadcast %eq3A : i32 to vector<1024x1xi32>
    %eq3A_32 = arith.cmpi eq, %and3A_20, %eq3A_31 : vector<1024x1xi32>
    %slice3A = vector.extract_strided_slice %get3A_30 {offsets = [0, 64], sizes = [1024, 64], strides = [1, 1]} : vector<1024x128xf32> to vector<1024x64xf32>
    %slice3A_33 = vector.extract_strided_slice %get3A_30 {offsets = [0, 0], sizes = [1024, 64], strides = [1, 1]} : vector<1024x128xf32> to vector<1024x64xf32>
    %broadcast_in_dim3A = vector.shape_cast %eq3A_32 : vector<1024x1xi1> to vector<1024x1xi1>
    %broadcast_in_dim3A_34 = vector.broadcast %broadcast_in_dim3A : vector<1024x1xi1> to vector<1024x64xi1>
    %select_n3A = arith.select %broadcast_in_dim3A_34, %slice3A, %slice3A_33 : vector<1024x64xi1>, vector<1024x64xf32>
    %iota3A = tpu.iota {dimensions = array<i32: 0>} : vector<512x512xi32>
    %iota3A_35 = tpu.iota {dimensions = array<i32: 1>} : vector<512x512xi32>
    %gt3A = vector.broadcast %get3A_13 : vector<512x1xf32> to vector<512x512xf32>
    %gt3A_36 = vector.broadcast %get3A_3 : vector<1x512xf32> to vector<512x512xf32>
    %gt3A_37 = arith.cmpf ogt, %gt3A, %gt3A_36 : vector<512x512xf32>
    %eq3A_38 = vector.broadcast %get3A_13 : vector<512x1xf32> to vector<512x512xf32>
    %eq3A_39 = vector.broadcast %get3A_3 : vector<1x512xf32> to vector<512x512xf32>
    %eq3A_40 = arith.cmpf oeq, %eq3A_38, %eq3A_39 : vector<512x512xf32>
    %lt3A = arith.cmpi slt, %iota3A, %iota3A_35 : vector<512x512xi32>
    %and3A_41 = arith.andi %eq3A_40, %lt3A : vector<512x512xi1>
    %or3A = arith.ori %gt3A_37, %and3A_41 : vector<512x512xi1>
    %convert_element_type3A = arith.extui %or3A : vector<512x512xi1> to vector<512x512xi32>
    %reduce_sum3A = arith.constant dense<0> : vector<512xi32>
    %reduce_sum3A_42 = vector.multi_reduction <add>, %convert_element_type3A, %reduce_sum3A [0] : vector<512x512xi32> to vector<512xi32>
    %broadcast_in_dim3A_43 = vector.shape_cast %reduce_sum3A_42 : vector<512xi32> to vector<1x512xi32>
    %eq3A_44 = vector.broadcast %broadcast_in_dim3A_43 : vector<1x512xi32> to vector<512x512xi32>
    %eq3A_45 = arith.cmpi eq, %iota3A, %eq3A_44 : vector<512x512xi32>
    %convert_element_type3A_46 = arith.extui %eq3A_45 : vector<512x512xi1> to vector<512x512xi32>
    %convert_element_type3A_47 = arith.sitofp %convert_element_type3A_46 : vector<512x512xi32> to vector<512x512xf32>
    %sub3A = vector.broadcast %get3A_13 : vector<512x1xf32> to vector<512x512xf32>
    %sub3A_48 = vector.broadcast %get3A_8 : vector<1x512xf32> to vector<512x512xf32>
    %sub3A_49 = arith.subf %sub3A, %sub3A_48 : vector<512x512xf32>
    %div3A = vector.broadcast %get3A_25 : vector<1x1xf32> to vector<512x512xf32>
    %div3A_50 = arith.divf %sub3A_49, %div3A : vector<512x512xf32>
    %neg3A = arith.constant 0.000000e+00 : f32
    %neg3A_51 = vector.broadcast %neg3A : f32 to vector<512x512xf32>
    %neg3A_52 = arith.subf %neg3A_51, %div3A_50 : vector<512x512xf32>
    %exp3A = math.exp %neg3A_52 : vector<512x512xf32>
    %add3A = arith.constant 1.000000e+00 : f32
    %add3A_53 = vector.broadcast %add3A : f32 to vector<512x512xf32>
    %add3A_54 = arith.addf %add3A_53, %exp3A : vector<512x512xf32>
    %div3A_55 = arith.constant 1.000000e+00 : f32
    %div3A_56 = vector.broadcast %div3A_55 : f32 to vector<512x512xf32>
    %div3A_57 = arith.divf %div3A_56, %add3A_54 : vector<512x512xf32>
    %reduce_sum3A_58 = arith.constant dense<0.000000e+00> : vector<512xf32>
    %reduce_sum3A_59 = vector.multi_reduction <add>, %div3A_57, %reduce_sum3A_58 [1] : vector<512x512xf32> to vector<512xf32>
    %broadcast_in_dim3A_60 = vector.shape_cast %reduce_sum3A_59 : vector<512xf32> to vector<512x1xf32>
    %div3A_61 = arith.constant 5.120000e+02 : f32
    %div3A_62 = vector.broadcast %div3A_61 : f32 to vector<512x1xf32>
    %div3A_63 = arith.divf %broadcast_in_dim3A_60, %div3A_62 : vector<512x1xf32>
    %sub3A_64 = arith.constant 1.000000e+00 : f32
    %sub3A_65 = vector.broadcast %sub3A_64 : f32 to vector<512x512xf32>
    %sub3A_66 = arith.subf %sub3A_65, %div3A_57 : vector<512x512xf32>
    %mul3A = arith.constant 0.001953125 : f32
    %mul3A_67 = vector.broadcast %mul3A : f32 to vector<512x512xf32>
    %mul3A_68 = arith.mulf %sub3A_66, %mul3A_67 : vector<512x512xf32>
    %slice3A_69 = vector.extract_strided_slice %select_n3A {offsets = [0, 0], sizes = [512, 64], strides = [1, 1]} : vector<1024x64xf32> to vector<512x64xf32>
    %slice3A_70 = vector.extract_strided_slice %select_n3A {offsets = [512, 0], sizes = [512, 64], strides = [1, 1]} : vector<1024x64xf32> to vector<512x64xf32>
    %mul3A_71 = vector.broadcast %div3A_63 : vector<512x1xf32> to vector<512x64xf32>
    %mul3A_72 = arith.mulf %mul3A_71, %slice3A_69 : vector<512x64xf32>
    %dot_general3A = arith.constant dense<0.000000e+00> : vector<512x64xf32>
    %dot_general3A_73 = tpu.matmul %mul3A_68, %slice3A_70, %dot_general3A {dimension_numbers = #tpu.dot_dimension_numbers<[1], [0], [0], [1], [0, 0, 1, 1], [], []>, transpose_lhs_hint = false} : vector<512x512xf32>, vector<512x64xf32>, vector<512x64xf32> -> vector<512x64xf32>
    %add3A_74 = arith.addf %mul3A_72, %dot_general3A_73 : vector<512x64xf32>
    %convert_element_type3A_75 = arith.truncf %convert_element_type3A_47 : vector<512x512xf32> to vector<512x512xbf16>
    %convert_element_type3A_76 = arith.truncf %add3A_74 : vector<512x64xf32> to vector<512x64xbf16>
    %convert_element_type3A_77 = arith.extf %convert_element_type3A_76 : vector<512x64xbf16> to vector<512x64xf32>
    %sub3A_78 = arith.subf %add3A_74, %convert_element_type3A_77 : vector<512x64xf32>
    %convert_element_type3A_79 = arith.truncf %sub3A_78 : vector<512x64xf32> to vector<512x64xbf16>
    %dot_general3A_80 = arith.constant dense<0.000000e+00> : vector<512x64xf32>
    %dot_general3A_81 = tpu.matmul %convert_element_type3A_75, %convert_element_type3A_76, %dot_general3A_80 {dimension_numbers = #tpu.dot_dimension_numbers<[1], [0], [0], [1], [0, 0, 1, 1], [], []>, transpose_lhs_hint = false} : vector<512x512xbf16>, vector<512x64xbf16>, vector<512x64xf32> -> vector<512x64xf32>
    %dot_general3A_82 = arith.constant dense<0.000000e+00> : vector<512x64xf32>
    %dot_general3A_83 = tpu.matmul %convert_element_type3A_75, %convert_element_type3A_79, %dot_general3A_82 {dimension_numbers = #tpu.dot_dimension_numbers<[1], [0], [0], [1], [0, 0, 1, 1], [], []>, transpose_lhs_hint = false} : vector<512x512xbf16>, vector<512x64xbf16>, vector<512x64xf32> -> vector<512x64xf32>
    %add3A_84 = arith.addf %dot_general3A_81, %dot_general3A_83 : vector<512x64xf32>
    %swap3A = arith.constant 0 : index
    %swap3A_85 = arith.constant 0 : index
    %swap3A_86 = arith.constant 0 : index
    %swap3A_87 = arith.constant 0 : index
    %swap3A_88 = vector.load %arg6[%swap3A, %swap3A_85, %swap3A_86, %swap3A_87] : memref<1x1x512x64xf32, #tpu.memory_space<vmem>>, vector<1x1x512x64xf32>
    %swap3A_89 = vector.shape_cast %swap3A_88 : vector<1x1x512x64xf32> to vector<512x64xf32>
    %swap3A_90 = vector.shape_cast %add3A_84 : vector<512x64xf32> to vector<1x1x512x64xf32>
    tpu.vector_store %arg6[%swap3A, %swap3A_85, %swap3A_86, %swap3A_87], %swap3A_90 {strides = array<i32>} : memref<1x1x512x64xf32, #tpu.memory_space<vmem>>, vector<1x1x512x64xf32>,
    return
  }
  func.func @transform_0(%arg0: i32) -> (i32, i32, i32) {
    %c0_i32 = arith.constant 0 : i32
    %c0_i32_0 = arith.constant 0 : i32
    %c0_i32_1 = arith.constant 0 : i32
    return %arg0, %c0_i32, %c0_i32_0 : i32, i32, i32
  }
  func.func @transform_1(%arg0: i32) -> (i32, i32, i32) {
    %c0_i32 = arith.constant 0 : i32
    %c0_i32_0 = arith.constant 0 : i32
    %c0_i32_1 = arith.constant 0 : i32
    return %arg0, %c0_i32, %c0_i32_0 : i32, i32, i32
  }
  func.func @transform_2(%arg0: i32) -> (i32, i32, i32) {
    %c0_i32 = arith.constant 0 : i32
    %c0_i32_0 = arith.constant 0 : i32
    %c0_i32_1 = arith.constant 0 : i32
    return %arg0, %c0_i32, %c0_i32_0 : i32, i32, i32
  }
  func.func @transform_3(%arg0: i32) -> (i32, i32, i32) {
    %c0_i32 = arith.constant 0 : i32
    %c0_i32_0 = arith.constant 0 : i32
    %c0_i32_1 = arith.constant 0 : i32
    return %arg0, %c0_i32, %c0_i32_0 : i32, i32, i32
  }
  func.func @transform_4(%arg0: i32) -> (i32, i32, i32) {
    %c0_i32 = arith.constant 0 : i32
    %c0_i32_0 = arith.constant 0 : i32
    %c0_i32_1 = arith.constant 0 : i32
    return %arg0, %c0_i32, %c0_i32_0 : i32, i32, i32
  }
  func.func @transform_5(%arg0: i32) -> (i32, i32, i32, i32) {
    %jit3A = arith.constant 16 : i32
    %div3A = arith.divsi %arg0, %jit3A : i32
    %sign3A = arith.constant 0 : i32
    %sign3A_0 = arith.cmpi sgt, %arg0, %sign3A : i32
    %sign3A_1 = arith.extui %sign3A_0 : i1 to i32
    %sign3A_2 = arith.constant 0 : i32
    %sign3A_3 = arith.cmpi slt, %arg0, %sign3A_2 : i32
    %sign3A_4 = arith.extui %sign3A_3 : i1 to i32
    %sign3A_5 = arith.subi %sign3A_1, %sign3A_4 : i32
    %sign3A_6 = arith.constant 0 : i32
    %sign3A_7 = arith.cmpi sgt, %jit3A, %sign3A_6 : i32
    %sign3A_8 = arith.extui %sign3A_7 : i1 to i32
    %sign3A_9 = arith.constant 0 : i32
    %sign3A_10 = arith.cmpi slt, %jit3A, %sign3A_9 : i32
    %sign3A_11 = arith.extui %sign3A_10 : i1 to i32
    %sign3A_12 = arith.subi %sign3A_8, %sign3A_11 : i32
    %ne3A = arith.cmpi ne, %sign3A_5, %sign3A_12 : i32
    %rem3A = arith.remsi %arg0, %jit3A : i32
    %ne3A_13 = arith.constant 0 : i32
    %ne3A_14 = arith.cmpi ne, %rem3A, %ne3A_13 : i32
    %and3A = arith.andi %ne3A, %ne3A_14 : i1
    %sub3A = arith.constant 1 : i32
    %sub3A_15 = arith.subi %div3A, %sub3A : i32
    %select_n3A = arith.select %and3A, %sub3A_15, %div3A : i32
    %jit3A_16 = arith.constant 16 : i32
    %eq3A = arith.constant 0 : i32
    %eq3A_17 = arith.cmpi eq, %jit3A_16, %eq3A : i32
    %jit3A_18 = arith.constant 1 : i32
    %select_n3A_19 = arith.select %eq3A_17, %jit3A_18, %jit3A_16 : i32
    %rem3A_20 = arith.remsi %arg0, %select_n3A_19 : i32
    %ne3A_21 = arith.constant 0 : i32
    %ne3A_22 = arith.cmpi ne, %rem3A_20, %ne3A_21 : i32
    %lt3A = arith.constant 0 : i32
    %lt3A_23 = arith.cmpi slt, %rem3A_20, %lt3A : i32
    %lt3A_24 = arith.constant 0 : i32
    %lt3A_25 = arith.cmpi slt, %select_n3A_19, %lt3A_24 : i32
    %ne3A_26 = arith.xori %lt3A_23, %lt3A_25 : i1
    %and3A_27 = arith.andi %ne3A_26, %ne3A_22 : i1
    %add3A = arith.addi %rem3A_20, %select_n3A_19 : i32
    %select_n3A_28 = arith.select %and3A_27, %add3A, %rem3A_20 : i32
    %c0_i32 = arith.constant 0 : i32
    %c0_i32_29 = arith.constant 0 : i32
    %c0_i32_30 = arith.constant 0 : i32
    return %select_n3A, %select_n3A_28, %c0_i32, %c0_i32_29 : i32, i32, i32, i32
  }
}

</mosaic_0001>

<sc_bundles>
// kernel: kernel.6.cloned.1.call-start
scs
__scs_entry_jumppad:
0x0: {  	(pc) =	sbr.rel $0x88, $3  }
0x1: {  	(tag) =	ssettag $0x0;
	lr =	simm.s32 $0x1  }
0x2: {  	[smem:$0x3F99] =	sst lr;
	_ =	strace $0xD0000000  }
0x3: {  	_ = 	snop  }
0x4: {  	_ = 	snop  }
0x5: {  	_ = 	snop  }
0x6: {  	_ = 	snop  }
0x7: {  	_ = 	snop  }
__scs_overlays_trampoline_lowered:
0x8: {  	[smem:$0x3FA8] =	sst s0  }
0x9: {  	[smem:$0x3FA9] =	sst s1  }
0xa: {  	[smem:$0x3FAA] =	sst s2  }
0xb: {  	[smem:$0x3FAB] =	sst s3  }
0xc: {  	[smem:$0x3FAC] =	sst s4  }
0xd: {  	[smem:$0x3FAD] =	sst s5  }
0xe: {  	[smem:$0x3FAE] =	sst s6  }
0xf: {  	[smem:$0x3FAF] =	sst s7  }
0x10: {  	[smem:$0x3FB0] =	sst s8  }
0x11: {  	[smem:$0x3FB1] =	sst s9;
	s0 =	simm.s32 @!p0 $0x0  }
0x12: {  	s1 =	sld [smem:$0x3F97];
	s0 =	simm.s32 @p0 $0x1  }
0x13: {  	[smem:$0x3FB2] =	sst s0;
	s0 =	simm.s32 @!p1 $0x0  }
0x14: {  	s2 =	sld [smem:$0x3F96];
	s0 =	simm.s32 @p1 $0x1  }
0x15: {  	[smem:$0x3FB3] =	sst s0;
	s0 =	simm.s32 @!p2 $0x0  }
0x16: {  	s3 =	sld [smem:$0x3FDB];
	s0 =	simm.s32 @p2 $0x1  }
0x17: {  	s4 =	simm.s32 $0x1BF5;
	[smem:$0x3FB5] =	sst s0  }
0x18: {  	s0 =	sld [smem:$0x3F98];
	_ =	swait.ge [sflag:s4], $0x0  }
0x19: {  	s7 =	sld [smem:$0x3F99]  }
0x1a: {  	s8 =	sadd.s32 $0xFFFFE003, lr  }
0x1b: {  	s9 =	sadd.s32 $0xFFFFFEF7, lr;
	s5 =	simm.s32 $0xFFFFFFFF;
	p2 =	slt.u32 s8, $0xFFFFF086  }
0x1c: {  	p1 =	slt.u32 s9, $0xF7A;
	s5 =	simm.s32 @!p2 $0x0  }
0x1d: {  	s5 =	simm.s32 @p1 $0x1;
	p0 =	seq.s32 s7, s2  }
0x1e: {  	s7 =	smul.u32 @!p0 $0xF7A, s2;
	p2 =	seq.s32 @!p0 s5, $0x0  }
0x1f: {  	s9 =	smul.u32 $0xF7A, s1;
	s8 =	simm.s32 @!p0 $0x1BF5;
	p2 =	por !p2, p0  }
0x20: {  	[sflag:s8] =	ssyncset.s32 @!p0 $0xFFFFF086;
	s6 =	sadd.s32 @!p0 s3, s7;
	s7 =	simm.s32 @!p0 $0x108  }
0x21: {  	s3 =	sadd.s32 s3, s9;
	s6 =	sadd.s32 @!p0 $0x88, s6;
	s7 =	simm.s32 @p2 $0x1082  }
0x22: {  	[simem:s7], [sflag:s8] =	dma.local @!p0 [hbm:s6], $0xF7A  }
0x23: {  	s9 =	sor.u32 $0xD0000000, s2;
	s6 =	simm.s32 $0x108;
	_ =	swait.ge @!p0 [sflag:s8], $0x0  }
0x24: {  	s3 =	sadd.s32 $0x88, s3;
	s6 =	simm.s32 @!p1 $0x1082;
	[sflag:s4] =	ssyncset.s32 $0xFFFFF086  }
0x25: {  	[simem:s6], [sflag:s4] =	dma.local [hbm:s3], $0xF7A  }
0x26: {  	[smem:$0x3F99] =	sst s1;
	(tag) =	ssettag s2;
	_ =	strace s9  }
0x27: {  	s1 =	sld [smem:$0x3FA9]  }
0x28: {  	s2 =	sld [smem:$0x3FAA]  }
0x29: {  	s4 =	sld [smem:$0x3FAC]  }
0x2a: {  	p0 =	seq.s32 s5, $0x0;
	s5 =	sld [smem:$0x3FAD]  }
0x2b: {  	s6 =	sld [smem:$0x3FAE]  }
0x2c: {  	s7 =	sld [smem:$0x3FAF]  }
0x2d: {  	s3 =	simm.s32 $0x108;
	s8 =	sld [smem:$0x3FB0]  }
0x2e: {  	s3 =	simm.s32 @!p0 $0x1082;
	s9 =	sld [smem:$0x3FB1]  }
0x2f: {  	lr =	sadd.s32 s0, s3;
	s0 =	sld [smem:$0x3FA8]  }
0x30: {  	s3 =	sld [smem:$0x3FAB]  }
0x31: {  	[smem:$0x3FB4] =	sst s10  }
0x32: {  	s10 =	sld [smem:$0x3FB2];
	_ =	sdelay $0x3  }
0x33: {  	p0 =	seq.s32 s10, $0x1;
	s10 =	sld [smem:$0x3FB4];
	_ =	sdelay $0x3  }
0x34: {  	[smem:$0x3FB4] =	sst s10  }
0x35: {  	s10 =	sld [smem:$0x3FB3];
	_ =	sdelay $0x3  }
0x36: {  	p1 =	seq.s32 s10, $0x1;
	s10 =	sld [smem:$0x3FB4];
	_ =	sdelay $0x3  }
0x37: {  	[smem:$0x3FB4] =	sst s10  }
0x38: {  	s10 =	sld [smem:$0x3FB5]  }
0x39: {  	_ = 	snop;
	(pc) =	sbr.ind lr, $3  }
0x3a: {  	_ = 	snop  }
0x3b: {  	_ = 	snop  }
0x3c: {  	p2 =	seq.s32 s10, $0x1;
	s10 =	sld [smem:$0x3FB4]  }
0x3d: {  	_ =	shalt  }
0x3e: {  	_ =	shalt  }
0x3f: {  	_ =	shalt  }
0x40: {  	_ =	shalt  }
0x41: {  	_ =	shalt  }
0x42: {  	_ =	shalt  }
0x43: {  	_ =	shalt  }
0x44: {  	_ =	shalt  }
0x45: {  	_ =	shalt  }
0x46: {  	_ =	shalt  }
0x47: {  	_ =	shalt  }
0x48: {  	_ =	shalt  }
0x49: {  	_ =	shalt  }
0x4a: {  	_ =	shalt  }
0x4b: {  	_ =	shalt  }
0x4c: {  	_ =	shalt  }
0x4d: {  	_ =	shalt  }
0x4e: {  	_ =	shalt  }
0x4f: {  	_ =	shalt  }
0x50: {  	_ =	shalt  }
0x51: {  	_ =	shalt  }
0x52: {  	_ =	shalt  }
0x53: {  	_ =	shalt  }
0x54: {  	_ =	shalt  }
0x55: {  	_ =	shalt  }
0x56: {  	_ =	shalt  }
0x57: {  	_ =	shalt  }
0x58: {  	_ =	shalt  }
0x59: {  	_ =	shalt  }
0x5a: {  	_ =	shalt  }
0x5b: {  	_ =	shalt  }
0x5c: {  	_ =	shalt  }
0x5d: {  	_ =	shalt  }
0x5e: {  	_ =	shalt  }
0x5f: {  	_ =	shalt  }
0x60: {  	_ =	shalt  }
0x61: {  	_ =	shalt  }
0x62: {  	_ =	shalt  }
0x63: {  	_ =	shalt  }
0x64: {  	_ =	shalt  }
0x65: {  	_ =	shalt  }
0x66: {  	_ =	shalt  }
0x67: {  	_ =	shalt  }
0x68: {  	_ =	shalt  }
0x69: {  	_ =	shalt  }
0x6a: {  	_ =	shalt  }
0x6b: {  	_ =	shalt  }
0x6c: {  	_ =	shalt  }
0x6d: {  	_ =	shalt  }
0x6e: {  	_ =	shalt  }
0x6f: {  	_ =	shalt  }
0x70: {  	_ =	shalt  }
0x71: {  	_ =	shalt  }
0x72: {  	_ =	shalt  }
0x73: {  	_ =	shalt  }
0x74: {  	_ =	shalt  }
0x75: {  	_ =	shalt  }
0x76: {  	_ =	shalt  }
0x77: {  	_ =	shalt  }
0x78: {  	_ =	shalt  }
0x79: {  	_ =	shalt  }
0x7a: {  	_ =	shalt  }
0x7b: {  	_ =	shalt  }
0x7c: {  	_ =	shalt  }
0x7d: {  	_ =	shalt  }
0x7e: {  	_ =	shalt  }
0x7f: {  	_ =	shalt  }
0x80: {  	_ =	shalt  }
0x81: {  	_ =	shalt  }
0x82: {  	_ =	shalt  }
0x83: {  	_ =	shalt  }
0x84: {  	_ =	shalt  }
0x85: {  	_ =	shalt  }
0x86: {  	_ =	shalt  }
0x87: {  	_ =	shalt  }
.Lfunc_end0:
.L_simem_size_0:
called_computation_lowered:
.L_overlay_start_0:
0x88: {  	s2 =	sld [smem:$0x3FD9]  }
0x89: {  	s3 =	sld [smem:$0x3FFE];
	_ =	sdelay $0x1  }
0x8a: {  	s1 =	srdreg.scid  }
0x8b: {  	s0 =	sand.u32 $0x1, s1  }
0x8c: {  	s17 =	sshll.u32 s0, $0xA;
	s2 =	sadd.s32 s3, s2  }
0x8d: {  	s2 =	sadd.s32 s2, s17  }
0x8e: {  	[smem:$0x3FC0] =	sst s2  }
0x8f: {  	_ = 	snop  }
0x90: {  	s2 =	sld [smem:$0x3FD0];
	(tm) =	ssettm $0x1  }
0x91: {  	s18 =	sld [smem:$0x3FFB];
	_ =	sdelay $0x3  }
0x92: {  	_ =	strace s18  }
0x93: {  	s3 =	sld [smem:$0x3FFC];
	_ =	sdelay $0x3  }
0x94: {  	_ =	strace s3  }
0x95: {  	s3 =	sld [smem:$0x3FFD];
	_ =	sdelay $0x3  }
0x96: {  	_ =	strace s3  }
0x97: {  	_ =	strace $0x8FFFFFFF  }
0x98: {  	s19 =	sld [smem:$0x3FDB];
	_ =	sdelay $0x1  }
0x99: {  	s4 =	simm.s32 $_scs_section_size  }
0x9a: {  	s5 =	simm.s32 $_size__tile_overlayer_lowered;
	s6 =	simm.s32 $_tile_overlayer_lowered  }
0x9b: {  	s22 =	simm.s32 $0x1BFF;
	s21 =	sshll.u32 s6, $0x1;
	s3 =	sadd.s32 s4, s19  }
0x9c: {  	s7 =	simm.s32 $0x0;
	s20 =	sshll.u32 s5, $0x1;
	s5 =	sadd.s32 s21, s3  }
0x9d: {  	[timem:s7], [sflag:s22] =	dma.local [hbm:s5], s20  }
0x9e: {  	_ =	swait.ge [sflag:s22], s20  }
0x9f: {  	s4 =	ssub.s32 $0x0, s20;
	[sflag:s22] =	ssyncset.done $0x0  }
0xa0: {  	[sflag:s22] =	ssyncadd.s32 s4;
	_ =	sdelay $0x1  }
0xa1: {  	s23 =	simm.s32 $0x1B8B  }
0xa2: {  	_ =	swait.ge [sflag:s23], $0x1  }
0xa3: {  	[sflag:s23] =	ssyncset.done $0x0  }
0xa4: {  	s25 =	simm.s32 $0x1B8E;
	s24 =	sld [smem:$0x3FFE];
	[sflag:s23] =	ssyncadd.s32 $0xFFFFFFFF  }
0xa5: {  	s26 =	simm.s32 $execute0_lowered;
	[smem:$0x3FD2] =	sst s25  }
0xa6: {  	s5 =	sshll.u32 s26, $0x1;
	_ =	strace $0x80000046;
	[dreg:$0x1] =	wrdreg $0xFFFFFFFF  }
0xa7: {  	s28 =	simm.s32 $_size_execute0_lowered;
	s3 =	sadd.s32 s3, s5;
	[dreg:$0x0] =	wrdreg $0x0  }
0xa8: {  	s5 =	sshll.u32 s28, $0x1;
	[dreg:$0x2] =	wrdreg s3  }
0xa9: {  	[dreg:$0x3] =	wrdreg s5  }
0xaa: {  	[dreg:$0x4] =	wrdreg $0xC0  }
0xab: {  	_ =	task [dreg:s7], $0x5FFFF  }
0xac: {  	[dreg:$0x1] =	wrdreg $0xFFFFFFFF  }
0xad: {  	[dreg:$0x0] =	wrdreg $0x60  }
0xae: {  	[dreg:$0x2] =	wrdreg s2  }
0xaf: {  	[dreg:$0x3] =	wrdreg s24  }
0xb0: {  	[dreg:$0x4] =	wrdreg $0x9  }
0xb1: {  	_ =	task.clear_ibuf [dreg:s7], $0x5FFFF;
	_ =	strace $0x90000046  }
0xb2: {  	s29 =	simm.s32 $0x9;
	_ =	strace $0x80000048  }
0xb3: {  	_ =	swait.ge [sflag:s29], $0x1  }
0xb4: {  	[sflag:s29] =	ssyncadd.s32 $0xFFFFFFFF  }
0xb5: {  	_ =	strace $0x90000048  }
0xb6: {  	_ =	sfence  }
0xb7: {  	s30 =	sld [smem:$0x0];
	_ =	sdelay $0x2  }
0xb8: {  	s31 =	sshll.u32 s1, $0xD;
	s1 =	sshrl.u32 s1, $0x2  }
0xb9: {  	s3 =	sand.u32 $0x4000, s31;
	s1 =	sadd.s32 s1, s30  }
0xba: {  	s0 =	sor.u32 s3, s0;
	s1 =	sshll.u32 s1, $0x11  }
0xbb: {  	s0 =	sor.u32 s1, s0  }
0xbc: {  	s0 =	sadd.s32 $0x8F2B, s0  }
0xbd: {  	[sflag:s0] =	ssyncadd.remote.s32 $0x1  }
0xbe: {  	_ =	sfence.sel $0xFFFF  }
0xbf: {  	[dreg:$0x0] =	wrdreg $0xFFFFFFFF;
	(pc) =	sbr.abs _section_cstart, $3  }
0xc0: {  	[dreg:$0x1] =	wrdreg $0xFFFFFFFF  }
0xc1: {  	_ =	task.clear_ibuf [dreg:s7], $0x2FFFF;
	_ =	strace $0x9FFFFFFF  }
0xc2: {  	(tm) =	ssettm $0x7FFFFFFF  }
0xc3: {  	_ =	shalt  }
tec
execute0_lowered:
.L_overlay_start_1:
0x0: {  	(tag) =	ssettag $0x1  }
0x1: {  	s0 =	rddreg [dreg:$0x0]  }
0x2: {  	s1 =	rddreg [dreg:$0x1];
	s2 =	simm.s32 $0x0  }
0x3: {  	s3 =	srdreg.scid;
	s8 =	stileid.u32;
	s17 =	simm.s32 $0x80  }
0x4: {  	s28 =	simm.s32 $0x1D80;
	s29 =	simm.s32 $0xA580;
	s30 =	simm.s32 $0x1E00  }
0x5: {  	s31 =	simm.s32 $0xE580;
	[smem:$0x7FF] =	sst s2;
	s4 =	sand.u32 $0x1, s3  }
0x6: {  	s5 =	sadd.s32 $0x1A00, s1;
	s6 =	sshll.u32 s8, $0x2;
	s19 =	sadd.s32 $0x129A00, s1  }
0x7: {  	s3 =	sadd.s32 $0x7A00, s1;
	s13 =	sadd.s32 $0x127A00, s1;
	s14 =	sadd.s32 $0x12BA00, s1  }
0x8: {  	s18 =	sshrl.u32 s8, $0x1;
	s1 =	sadd.s32 $0x12DA00, s1;
	_ =	strace $0x80000047  }
0x9: {  	s7 =	sshll.u32 s4, $0x1;
	s10 =	smul.u32 $0x6000, s18;
	s4 =	ssub.s32 $0x2, s4  }
0xa: {  	s6 =	sor.u32 s7, s6;
	s11 =	sshrl.u32 s4, $0x1;
	s7 =	sshll.u32 s18, $0xD  }
0xb: {  	s18 =	simm.s32 $0x400;
	s9 =	sshll.u32 s6, $0x7;
	s4 =	ssub.s32 s4, s11  }
0xc: {  	s15 =	sor.u32 $0x1, s6;
	s6 =	sshll.u32 s6, $0xE;
	s9 =	sand.u32 $0x300, s9  }
0xd: {  	s21 =	sshll.u32 s15, $0x7;
	s23 =	sadd.s32 s14, s6;
	s6 =	sadd.s32 s6, s1  }
0xe: {  	s26 =	sshll.u32 s15, $0xE;
	s16 =	smax.u32 s4, $0x1;
	s4 =	simm.s32 $0x1F00  }
0xf: {  	s12 =	sor.u32 s10, s9;
	s9 =	sor.u32 s7, s9;
	[dreg:$0x7] =	wrdreg s23  }
0x10: {  	[dreg:$0x8] =	wrdreg s6;
	s14 =	sadd.s32 s14, s26;
	s15 =	sadd.s32 s26, s1  }
0x11: {  	s23 =	simm.s32 $0x1C80;
	s26 =	simm.s32 $0x6580;
	s20 =	sshrl.u32 s12, $0x3  }
0x12: {  	s1 =	simm.s32 $0x1E80;
	s6 =	simm.s32 $0x2000;
	s12 =	sadd.s32 s0, s20  }
0x13: {  	s9 =	sshrl.u32 s9, $0x3;
	s11 =	sadd.s32 s5, s20;
	[dreg:$0x3] =	wrdreg s12  }
0x14: {  	s22 =	sadd.s32 s19, s9;
	s9 =	sadd.s32 s13, s9;
	[dreg:$0x4] =	wrdreg s11  }
0x15: {  	s20 =	simm.s32 $0xC00;
	[dreg:$0x5] =	wrdreg s22;
	s11 =	sand.u32 $0x380, s21  }
0x16: {  	[dreg:$0x6] =	wrdreg s9;
	s21 =	simm.s32 $0x1800;
	s24 =	sor.u32 s10, s11  }
0x17: {  	s22 =	simm.s32 $0x2100;
	s7 =	sor.u32 s7, s11;
	s9 =	sshrl.u32 s24, $0x3  }
0x18: {  	s25 =	sshrl.u32 s7, $0x3;
	s24 =	simm.s32 $0x2580;
	s7 =	simm.s32 $0x0  }
0x19: {  	s0 =	sadd.s32 s0, s9;
	s11 =	sadd.s32 s5, s9;
	s12 =	sadd.s32 s19, s25  }
0x1a: {  	s13 =	sadd.s32 s13, s25;
	s19 =	simm.s32 $0x2;
	s25 =	simm.s32 $0x1D00  }
0x1b: {  	s5 =	simm.s32 $0x1F80;
	[dreg:$0x9] =	wrdreg s0;
	s0 =	simm.s32 $0x1  }
.LBB2_1:
0x1c: {  	s8 =	rddreg [dreg:$0x3]  }
0x1d: {  	[tilespmem:s2], [sflag:$0x2] =	stream.strided.gather [hbm4b:s8+s17], $0xC00, s18, s17, $0x38;
	[tilespmem:$0x12580] =	vst v63  }
0x1e: {  	_ =	swait.ge [sflag:s19], $0xC00  }
0x1f: {  	[sflag:s19] =	ssyncset.done $0x0  }
0x20: {  	s10 =	rddreg [dreg:$0x4];
	[sflag:s19] =	ssyncadd.s32 $0xFFFFF400  }
0x21: {  	[tilespmem:s20], [sflag:$0x2] =	stream.strided.gather [hbm4b:s10+s17], $0xC00, s18, s17, $0x38;
	[tilespmem:$0x12580] =	vst v63  }
0x22: {  	_ =	swait.ge [sflag:s19], $0xC00  }
0x23: {  	[sflag:s19] =	ssyncset.done $0x0  }
0x24: {  	s8 =	simm.s32 $0x0;
	[sflag:s19] =	ssyncadd.s32 $0xFFFFF400  }
.LBB2_2:
0x25: {  	s9 =	sshra.s32 s8, $0x2  }
0x26: {  	v0 =	vld [tilespmem:s9+$0xC00];
	_ =	sdelay $0x4  }
0x27: {  	v1 =	vshra.s32 v0, $0x12  }
0x28: {  	p0 =	sne.s32 s8, $0x2FC0;
	v2 =	vld [tilespmem:s9+$0x0]  }
.Ltmp0:
0x29: {  	_ = 	snop;
	(pc) =	sbr.rel @p0 .LBB2_2-.Ltmp0, $4  }
0x2a: {  	_ = 	snop  }
0x2b: {  	v0 =	vand.u32 $0x3FFFF, v0  }
0x2c: {  	[tilespmem:v1+s21+$0x0] =	vst.idx.msk $0xffff, v0  }
0x2d: {  	s8 =	sadd.s32 $0x40, s8;
	[tilespmem:v1+s22+$0x0] =	vst.idx.msk $0xffff, v2  }
0x2e: {  	s8 =	simm.s32 $0x0  }
0x2f: {  	s9 =	simm.s32 $0x40;
	v0 =	vld [tilespmem:s8+$0x1800]  }
.LBB2_4:
0x30: {  	p0 =	sne.s32 s9, $0xFC0  }
.Ltmp1:
0x31: {  	_ = 	snop;
	(pc) =	sbr.rel @p0 .LBB2_4-.Ltmp1, $3  }
0x32: {  	_ =	sdelay $0x1  }
0x33: {  	s10 =	sshra.s32 s9, $0x2;
	s9 =	sadd.s32 $0x40, s9;
	v1 =	vshra.s32 v0, $0x1  }
0x34: {  	v0 =	vld [tilespmem:s10+$0x1800];
	[tilespmem:s8+$0x1C80] =	vst v1;
	s8 =	smov.u32 s10  }
0x35: {  	_ =	sdelay $0x3  }
0x36: {  	v0 =	vshra.s32 v0, $0x1  }
0x37: {  	s10 =	rddreg [dreg:$0x5];
	[tilespmem:s8+$0x1C80] =	vst v0  }
0x38: {  	[hbm4b:s10+s17] =	stream.strided.scatter [tilespmem:s22], [sflag:$0x2], $0x400, s18, s17, $0x38;
	[tilespmem:$0x12580] =	vst v63  }
0x39: {  	_ =	swait.ge [sflag:s19], $0x400  }
0x3a: {  	[sflag:s19] =	ssyncset.done $0x0  }
0x3b: {  	s9 =	rddreg [dreg:$0x6];
	[sflag:s19] =	ssyncadd.s32 $0xFFFFFC00  }
0x3c: {  	[hbm4b:s9+s17] =	stream.strided.scatter [tilespmem:s21], [sflag:$0x2], $0x400, s18, s17, $0x38;
	[tilespmem:$0x12580] =	vst v63  }
0x3d: {  	_ =	swait.ge [sflag:s19], $0x400  }
0x3e: {  	[sflag:s19] =	ssyncset.done $0x0  }
0x3f: {  	[sflag:s19] =	ssyncadd.s32 $0xFFFFFC00  }
0x40: {  	[tilespmem:s24], [sflag:$0x1] =	stream.indirect.gather [hbm4b:s3+s17], $0x80, s23, s17, $0xb8;
	[tilespmem:$0x12580] =	vst v63  }
0x41: {  	_ = 	snop  }
0x42: {  	[tilespmem:s26], [sflag:$0x1] =	stream.indirect.gather [hbm4b:s3+s17], $0x80, s25, s17, $0xb8;
	[tilespmem:$0x12580] =	vst v63  }
0x43: {  	_ = 	snop  }
0x44: {  	[tilespmem:s29], [sflag:$0x1] =	stream.indirect.gather [hbm4b:s3+s17], $0x80, s28, s17, $0xb8;
	[tilespmem:$0x12580] =	vst v63  }
0x45: {  	_ = 	snop  }
0x46: {  	[tilespmem:s31], [sflag:$0x1] =	stream.indirect.gather [hbm4b:s3+s17], $0x80, s30, s17, $0xb8;
	[tilespmem:$0x12580] =	vst v63  }
0x47: {  	_ =	swait.ge [sflag:s0], $0x4000  }
0x48: {  	[sflag:s0] =	ssyncset.done $0x0  }
0x49: {  	[sflag:s0] =	ssyncadd.s32 $0xFFFFC000  }
0x4a: {  	_ =	swait.ge [sflag:s0], $0x4000  }
0x4b: {  	[sflag:s0] =	ssyncset.done $0x0  }
0x4c: {  	[sflag:s0] =	ssyncadd.s32 $0xFFFFC000  }
0x4d: {  	_ =	swait.ge [sflag:s0], $0x4000  }
0x4e: {  	[sflag:s0] =	ssyncset.done $0x0  }
0x4f: {  	[sflag:s0] =	ssyncadd.s32 $0xFFFFC000  }
0x50: {  	_ =	swait.ge [sflag:s0], $0x4000  }
0x51: {  	[sflag:s0] =	ssyncset.done $0x0  }
0x52: {  	s8 =	simm.s32 $0x0;
	s9 =	rddreg [dreg:$0x7];
	[sflag:s0] =	ssyncadd.s32 $0xFFFFC000  }
0x53: {  	[hbm4b:s9+s8] =	stream.linear.scatter [tilespmem:s24], [sflag:$0x2], $0x10000, $0x38;
	[tilespmem:$0x12580] =	vst v63  }
0x54: {  	_ =	swait.ge [sflag:s19], $0x10000  }
0x55: {  	[sflag:s19] =	ssyncset.done $0x0  }
0x56: {  	[sflag:s19] =	ssyncadd.s32 $0xFFFF0000  }
0x57: {  	[tilespmem:s24], [sflag:$0x1] =	stream.indirect.gather [hbm4b:s3+s17], $0x80, s1, s17, $0xb8;
	[tilespmem:$0x12580] =	vst v63  }
0x58: {  	_ = 	snop  }
0x59: {  	[tilespmem:s26], [sflag:$0x1] =	stream.indirect.gather [hbm4b:s3+s17], $0x80, s4, s17, $0xb8;
	[tilespmem:$0x12580] =	vst v63  }
0x5a: {  	_ = 	snop  }
0x5b: {  	[tilespmem:s29], [sflag:$0x1] =	stream.indirect.gather [hbm4b:s3+s17], $0x80, s5, s17, $0xb8;
	[tilespmem:$0x12580] =	vst v63  }
0x5c: {  	_ = 	snop  }
0x5d: {  	[tilespmem:s31], [sflag:$0x1] =	stream.indirect.gather [hbm4b:s3+s17], $0x80, s6, s17, $0xb8;
	[tilespmem:$0x12580] =	vst v63  }
0x5e: {  	_ =	swait.ge [sflag:s0], $0x4000  }
0x5f: {  	[sflag:s0] =	ssyncset.done $0x0  }
0x60: {  	[sflag:s0] =	ssyncadd.s32 $0xFFFFC000  }
0x61: {  	_ =	swait.ge [sflag:s0], $0x4000  }
0x62: {  	[sflag:s0] =	ssyncset.done $0x0  }
0x63: {  	[sflag:s0] =	ssyncadd.s32 $0xFFFFC000  }
0x64: {  	_ =	swait.ge [sflag:s0], $0x4000  }
0x65: {  	[sflag:s0] =	ssyncset.done $0x0  }
0x66: {  	[sflag:s0] =	ssyncadd.s32 $0xFFFFC000  }
0x67: {  	_ =	swait.ge [sflag:s0], $0x4000  }
0x68: {  	[sflag:s0] =	ssyncset.done $0x0  }
0x69: {  	s10 =	rddreg [dreg:$0x8];
	[sflag:s0] =	ssyncadd.s32 $0xFFFFC000  }
0x6a: {  	[hbm4b:s10+s8] =	stream.linear.scatter [tilespmem:s24], [sflag:$0x2], $0x10000, $0x38;
	[tilespmem:$0x12580] =	vst v63  }
0x6b: {  	_ =	swait.ge [sflag:s19], $0x10000  }
0x6c: {  	[sflag:s19] =	ssyncset.done $0x0  }
0x6d: {  	s10 =	rddreg [dreg:$0x9];
	[sflag:s19] =	ssyncadd.s32 $0xFFFF0000  }
0x6e: {  	[tilespmem:s8], [sflag:$0x2] =	stream.strided.gather [hbm4b:s10+s17], $0xC00, s18, s17, $0x38;
	[tilespmem:$0x12580] =	vst v63  }
0x6f: {  	_ =	swait.ge [sflag:s19], $0xC00  }
0x70: {  	[sflag:s19] =	ssyncset.done $0x0  }
0x71: {  	[sflag:s19] =	ssyncadd.s32 $0xFFFFF400  }
0x72: {  	[tilespmem:s20], [sflag:$0x2] =	stream.strided.gather [hbm4b:s11+s17], $0xC00, s18, s17, $0x38;
	[tilespmem:$0x12580] =	vst v63  }
0x73: {  	_ =	swait.ge [sflag:s19], $0xC00  }
0x74: {  	[sflag:s19] =	ssyncset.done $0x0  }
0x75: {  	s9 =	simm.s32 $0x0;
	[sflag:s19] =	ssyncadd.s32 $0xFFFFF400  }
0x76: {  	s8 =	simm.s32 $0x40;
	v0 =	vld [tilespmem:s9+$0xC00]  }
.LBB2_6:
0x77: {  	p0 =	sne.s32 s8, $0x2FC0;
	_ =	sdelay $0x3  }
0x78: {  	v1 =	vshra.s32 v0, $0x12  }
0x79: {  	v2 =	vld [tilespmem:s9+$0x0];
	_ =	sdelay $0x1  }
.Ltmp2:
0x7a: {  	(pc) =	sbr.rel @p0 .LBB2_6-.Ltmp2, $4  }
0x7b: {  	v0 =	vand.u32 $0x3FFFF, v0  }
0x7c: {  	[tilespmem:v1+s21+$0x0] =	vst.idx.msk $0xffff, v0  }
0x7d: {  	s9 =	sshra.s32 s8, $0x2;
	[tilespmem:v1+s22+$0x0] =	vst.idx.msk $0xffff, v2  }
0x7e: {  	s8 =	sadd.s32 $0x40, s8;
	v0 =	vld [tilespmem:s9+$0xC00]  }
0x7f: {  	_ =	sdelay $0x3  }
0x80: {  	v1 =	vshra.s32 v0, $0x12  }
0x81: {  	v2 =	vld [tilespmem:s9+$0x0];
	_ =	sdelay $0x2  }
0x82: {  	v0 =	vand.u32 $0x3FFFF, v0  }
0x83: {  	[tilespmem:v1+s21+$0x0] =	vst.idx.msk $0xffff, v0  }
0x84: {  	s8 =	simm.s32 $0x0;
	[tilespmem:v1+s22+$0x0] =	vst.idx.msk $0xffff, v2  }
0x85: {  	s9 =	simm.s32 $0x40;
	v0 =	vld [tilespmem:s8+$0x1800]  }
.LBB2_8:
0x86: {  	p0 =	sne.s32 s9, $0xFC0  }
.Ltmp3:
0x87: {  	_ = 	snop;
	(pc) =	sbr.rel @p0 .LBB2_8-.Ltmp3, $3  }
0x88: {  	_ =	sdelay $0x1  }
0x89: {  	s10 =	sshra.s32 s9, $0x2;
	s9 =	sadd.s32 $0x40, s9;
	v1 =	vshra.s32 v0, $0x1  }
0x8a: {  	v0 =	vld [tilespmem:s10+$0x1800];
	[tilespmem:s8+$0x1C80] =	vst v1;
	s8 =	smov.u32 s10  }
0x8b: {  	_ =	sdelay $0x3  }
0x8c: {  	v0 =	vshra.s32 v0, $0x1  }
0x8d: {  	[tilespmem:s8+$0x1C80] =	vst v0  }
0x8e: {  	[hbm4b:s12+s17] =	stream.strided.scatter [tilespmem:s22], [sflag:$0x2], $0x400, s18, s17, $0x38;
	[tilespmem:$0x12580] =	vst v63  }
0x8f: {  	_ =	swait.ge [sflag:s19], $0x400  }
0x90: {  	[sflag:s19] =	ssyncset.done $0x0  }
0x91: {  	[sflag:s19] =	ssyncadd.s32 $0xFFFFFC00  }
0x92: {  	[hbm4b:s13+s17] =	stream.strided.scatter [tilespmem:s21], [sflag:$0x2], $0x400, s18, s17, $0x38;
	[tilespmem:$0x12580] =	vst v63  }
0x93: {  	_ =	swait.ge [sflag:s19], $0x400  }
0x94: {  	[sflag:s19] =	ssyncset.done $0x0  }
0x95: {  	[sflag:s19] =	ssyncadd.s32 $0xFFFFFC00  }
0x96: {  	[tilespmem:s24], [sflag:$0x1] =	stream.indirect.gather [hbm4b:s3+s17], $0x80, s23, s17, $0xb8;
	[tilespmem:$0x12580] =	vst v63  }
0x97: {  	_ = 	snop  }
0x98: {  	[tilespmem:s26], [sflag:$0x1] =	stream.indirect.gather [hbm4b:s3+s17], $0x80, s25, s17, $0xb8;
	[tilespmem:$0x12580] =	vst v63  }
0x99: {  	_ = 	snop  }
0x9a: {  	[tilespmem:s29], [sflag:$0x1] =	stream.indirect.gather [hbm4b:s3+s17], $0x80, s28, s17, $0xb8;
	[tilespmem:$0x12580] =	vst v63  }
0x9b: {  	_ = 	snop  }
0x9c: {  	[tilespmem:s31], [sflag:$0x1] =	stream.indirect.gather [hbm4b:s3+s17], $0x80, s30, s17, $0xb8;
	[tilespmem:$0x12580] =	vst v63  }
0x9d: {  	_ =	swait.ge [sflag:s0], $0x4000  }
0x9e: {  	[sflag:s0] =	ssyncset.done $0x0  }
0x9f: {  	[sflag:s0] =	ssyncadd.s32 $0xFFFFC000  }
0xa0: {  	_ =	swait.ge [sflag:s0], $0x4000  }
0xa1: {  	[sflag:s0] =	ssyncset.done $0x0  }
0xa2: {  	[sflag:s0] =	ssyncadd.s32 $0xFFFFC000  }
0xa3: {  	_ =	swait.ge [sflag:s0], $0x4000  }
0xa4: {  	[sflag:s0] =	ssyncset.done $0x0  }
0xa5: {  	[sflag:s0] =	ssyncadd.s32 $0xFFFFC000  }
0xa6: {  	_ =	swait.ge [sflag:s0], $0x4000  }
0xa7: {  	[sflag:s0] =	ssyncset.done $0x0  }
0xa8: {  	[sflag:s0] =	ssyncadd.s32 $0xFFFFC000  }
0xa9: {  	[hbm4b:s14+s2] =	stream.linear.scatter [tilespmem:s24], [sflag:$0x2], $0x10000, $0x38;
	[tilespmem:$0x12580] =	vst v63  }
0xaa: {  	_ =	swait.ge [sflag:s19], $0x10000  }
0xab: {  	[sflag:s19] =	ssyncset.done $0x0  }
0xac: {  	[sflag:s19] =	ssyncadd.s32 $0xFFFF0000  }
0xad: {  	[tilespmem:s24], [sflag:$0x1] =	stream.indirect.gather [hbm4b:s3+s17], $0x80, s1, s17, $0xb8;
	[tilespmem:$0x12580] =	vst v63  }
0xae: {  	_ = 	snop  }
0xaf: {  	[tilespmem:s26], [sflag:$0x1] =	stream.indirect.gather [hbm4b:s3+s17], $0x80, s4, s17, $0xb8;
	[tilespmem:$0x12580] =	vst v63  }
0xb0: {  	_ = 	snop  }
0xb1: {  	[tilespmem:s29], [sflag:$0x1] =	stream.indirect.gather [hbm4b:s3+s17], $0x80, s5, s17, $0xb8;
	[tilespmem:$0x12580] =	vst v63  }
0xb2: {  	_ = 	snop  }
0xb3: {  	[tilespmem:s31], [sflag:$0x1] =	stream.indirect.gather [hbm4b:s3+s17], $0x80, s6, s17, $0xb8;
	[tilespmem:$0x12580] =	vst v63  }
0xb4: {  	_ =	swait.ge [sflag:s0], $0x4000  }
0xb5: {  	[sflag:s0] =	ssyncset.done $0x0  }
0xb6: {  	[sflag:s0] =	ssyncadd.s32 $0xFFFFC000  }
0xb7: {  	_ =	swait.ge [sflag:s0], $0x4000  }
0xb8: {  	[sflag:s0] =	ssyncset.done $0x0  }
0xb9: {  	[sflag:s0] =	ssyncadd.s32 $0xFFFFC000  }
0xba: {  	_ =	swait.ge [sflag:s0], $0x4000  }
0xbb: {  	[sflag:s0] =	ssyncset.done $0x0  }
0xbc: {  	[sflag:s0] =	ssyncadd.s32 $0xFFFFC000  }
0xbd: {  	s7 =	sadd.s32 $0x1, s7;
	_ =	swait.ge [sflag:s0], $0x4000  }
0xbe: {  	p0 =	sne.s32 s7, s16;
	[sflag:s0] =	ssyncset.done $0x0  }
.Ltmp4:
0xbf: {  	[sflag:s0] =	ssyncadd.s32 $0xFFFFC000;
	(pc) =	sbr.rel @p0 .LBB2_1-.Ltmp4, $4  }
0xc0: {  	[hbm4b:s15+s2] =	stream.linear.scatter [tilespmem:s24], [sflag:$0x2], $0x10000, $0x38;
	[tilespmem:$0x12580] =	vst v63  }
0xc1: {  	_ =	swait.ge [sflag:s19], $0x10000  }
0xc2: {  	[sflag:s19] =	ssyncset.done $0x0  }
0xc3: {  	[sflag:s19] =	ssyncadd.s32 $0xFFFF0000  }
0xc4: {  	_ =	sfence.sel $0x180000  }
0xc5: {  	[bflag:$0x0] =	sbarrier.arrive $0xFFFF  }
0xc6: {  	_ =	strace $0x90000047  }
0xc7: {  	s0 =	stileid.u32;
	[bflag:$0x2] =	sbarrier.arrive $0xFFFF  }
0xc8: {  	p0 =	sne.s32 s0, $0x0;
	s0 =	rddreg [dreg:$0x2]  }
0xc9: {  	s0 =	sadd.s32 @!p0 $0x100000, s0  }
0xca: {  	[sflag:s0] =	ssyncadd.tile.s32 @!p0 $0x1;
	_ =	shalt  }
.Lfunc_end2:
_tile_overlayer_lowered:
.L_overlay_start_2:
0xcb: {  	(tag) =	ssettag $0x2  }
0xcc: {  	s0 =	rddreg [dreg:$0x0];
	s2 =	stileid.u32  }
0xcd: {  	s1 =	rddreg [dreg:$0x1];
	p0 =	sne.s32 s2, $0x0  }
0xce: {  	s3 =	rddreg [dreg:$0x2];
	[bflag:$0x3] =	sbarrier.arrive $0xFFFF;
	s2 =	simm.s32 @!p0 $0x1C02  }
0xcf: {  	[timem:s3], [sflag:s2] =	dma.local @!p0 [hbm:s0], s1  }
0xd0: {  	s0 =	simm.s32 @!p0 $0x2  }
0xd1: {  	_ =	swait.ge @!p0 [sflag:s0], s1  }
0xd2: {  	s1 =	ssub.s32 @!p0 $0x0, s1;
	[sflag:s0] =	ssyncset.done @!p0 $0x0  }
0xd3: {  	[sflag:s0] =	ssyncadd.s32 @!p0 s1  }
0xd4: {  	[bflag:$0x3] =	sbarrier.arrive $0xFFFF  }
0xd5: {  	_ =	shalt  }

</sc_bundles>
